<compile_context>
chip_gen: v7x
topology: tpu7x:2x2x1
jax: 0.10.2.dev20260603
libtpu: 0.0.44.dev20260713+nightly
codegen_flags: <defaults>
</compile_context>

<pallas_src>
import functools

import jax
import jax.numpy as jnp
from jax import lax
from jax.experimental import pallas as pl
from jax.experimental.pallas import tpu as pltpu
from jax.experimental.pallas import tpu_sc as plsc

BATCH = 16384
C_IN = 128
F_OUT = 512
LANES = 16

NUM_CORES = 2
NUM_SUBCORES = 16
NUM_WORKERS = NUM_CORES * NUM_SUBCORES
ROWS_PER_WORKER = BATCH // NUM_WORKERS
CHUNK_ROWS = 64
NUM_CHUNKS = ROWS_PER_WORKER // CHUNK_ROWS


def _sc_scatter_body(x_hbm, sel_hbm, out_hbm, sel_v,
                     x_v0, x_v1, out_v0, out_v1,
                     sem_x0, sem_x1, sem_o0, sem_o1):
    wid = lax.axis_index("s") * NUM_CORES + lax.axis_index("c")
    base = wid * ROWS_PER_WORKER
    x_bufs, out_bufs = (x_v0, x_v1), (out_v0, out_v1)
    sem_x, sem_o = (sem_x0, sem_x1), (sem_o0, sem_o1)

    def x_rows(k):
        return x_hbm.at[pl.ds(base + k * CHUNK_ROWS, CHUNK_ROWS)]

    def out_rows(k):
        return out_hbm.at[pl.ds(base + k * CHUNK_ROWS, CHUNK_ROWS)]

    pltpu.async_copy(x_rows(0), x_bufs[0], sem_x[0])
    pltpu.async_copy(x_rows(1), x_bufs[1], sem_x[1])

    pltpu.sync_copy(sel_hbm, sel_v)
    sel_regs = [sel_v[pl.ds(g * LANES, LANES)] for g in range(C_IN // LANES)]

    zeros = jnp.zeros((LANES,), jnp.float32)

    def zero_row(r, carry):
        for j in range(F_OUT // LANES):
            out_v0[r, pl.ds(j * LANES, LANES)] = zeros
            out_v1[r, pl.ds(j * LANES, LANES)] = zeros
        return carry

    lax.fori_loop(0, CHUNK_ROWS, zero_row, 0)

    def scatter_rows(b, lo, hi):
        def scatter_row(r, c2):
            ridx = jnp.full((LANES,), r, jnp.int32)
            for g in range(C_IN // LANES):
                v = x_bufs[b][r, pl.ds(g * LANES, LANES)]
                plsc.store_scatter(out_bufs[b], [ridx, sel_regs[g]], v)
            return c2

        lax.fori_loop(lo, hi, scatter_row, 0)

    def pair(p, carry):
        for j in range(2):
            k = 2 * p + j
            pltpu.make_async_copy(x_rows(k), x_bufs[j], sem_x[j]).wait()

            @pl.when(k >= 2)
            def _():
                pltpu.make_async_copy(
                    out_bufs[j], out_rows(k - 2), sem_o[j]).wait()

            scatter_rows(j, 0, CHUNK_ROWS)
            pltpu.async_copy(out_bufs[j], out_rows(k), sem_o[j])

            @pl.when(k + 2 < NUM_CHUNKS)
            def _():
                pltpu.async_copy(x_rows(k + 2), x_bufs[j], sem_x[j])
        return carry

    lax.fori_loop(0, NUM_CHUNKS // 2 - 1, pair, 0)

    k6, k7 = NUM_CHUNKS - 2, NUM_CHUNKS - 1
    half = CHUNK_ROWS // 2
    pltpu.make_async_copy(x_rows(k6), x_bufs[0], sem_x[0]).wait()
    pltpu.make_async_copy(out_bufs[0], out_rows(k6 - 2), sem_o[0]).wait()
    scatter_rows(0, 0, CHUNK_ROWS)
    pltpu.async_copy(out_bufs[0], out_rows(k6), sem_o[0])

    pltpu.make_async_copy(x_rows(k7), x_bufs[1], sem_x[1]).wait()
    pltpu.make_async_copy(out_bufs[1], out_rows(k7 - 2), sem_o[1]).wait()
    scatter_rows(1, 0, half)
    pltpu.async_copy(
        out_bufs[1].at[pl.ds(0, half)],
        out_hbm.at[pl.ds(base + k7 * CHUNK_ROWS, half)], sem_o[1])
    scatter_rows(1, half, CHUNK_ROWS)
    pltpu.async_copy(
        out_bufs[1].at[pl.ds(half, half)],
        out_hbm.at[pl.ds(base + k7 * CHUNK_ROWS + half, half)], sem_o[1])

    pltpu.make_async_copy(out_bufs[0], out_rows(k6), sem_o[0]).wait()
    pltpu.make_async_copy(
        out_bufs[1].at[pl.ds(0, half)],
        out_hbm.at[pl.ds(base + k7 * CHUNK_ROWS, half)], sem_o[1]).wait()
    pltpu.make_async_copy(
        out_bufs[1].at[pl.ds(half, half)],
        out_hbm.at[pl.ds(base + k7 * CHUNK_ROWS + half, half)],
        sem_o[1]).wait()


@jax.jit
def kernel(x, sel):
    k = functools.partial(
        pl.kernel,
        mesh=plsc.VectorSubcoreMesh(core_axis_name="c", subcore_axis_name="s"),
        out_type=jax.ShapeDtypeStruct((BATCH, F_OUT), jnp.float32),
        compiler_params=pltpu.CompilerParams(needs_layout_passes=False),
        scratch_types=[
            pltpu.VMEM((C_IN,), jnp.int32),
            pltpu.VMEM((CHUNK_ROWS, C_IN), jnp.float32),
            pltpu.VMEM((CHUNK_ROWS, C_IN), jnp.float32),
            pltpu.VMEM((CHUNK_ROWS, F_OUT), jnp.float32),
            pltpu.VMEM((CHUNK_ROWS, F_OUT), jnp.float32),
            pltpu.SemaphoreType.DMA,
            pltpu.SemaphoreType.DMA,
            pltpu.SemaphoreType.DMA,
            pltpu.SemaphoreType.DMA,
        ],
    )(_sc_scatter_body)
    return k(x, sel)

# --- scband reference (transcript-rebuilt; emitter-appended) ---
"""Pipeline reference for scband-re-up-scale-layer-26147760898365 (READ-ONLY COPY).

The authoritative reference and input builder live on the scoring server;
editing this copy changes nothing except your own understanding.
"""

import jax, jax.numpy as jnp
import numpy as np

NUM_FEATURES_OUT = 512
BATCH = 16384
C_IN = 128

def setup_inputs(seed: int = 0) -> dict:
    key = jax.random.key(seed)
    kx, = jax.random.split(key, 1)
    x = jax.random.normal(kx, (BATCH, C_IN), dtype=jnp.float32)
    # sel: channel indices selecting where each input channel lands in the
    # num_features_out-wide output (arange -> values 0..C_IN-1, all < NUM_FEATURES_OUT)
    sel = jnp.arange(C_IN, dtype=jnp.int32)
    return {"x": x, "sel": sel}

def reference(x, sel):
    # Faithful translation of ReUpScaleLayer.forward with self.sel set (non-None path):
    #   out = zeros_like(x[:, :1]) tiled to [B, num_features_out]
    #   out[:, sel] += x
    out = jnp.zeros((x.shape[0], NUM_FEATURES_OUT), dtype=x.dtype)
    out = out.at[:, sel].add(x)
    return out

if __name__ == "__main__":
    import jax
    _d = setup_inputs()
    print(jax.jit(kernel)(*tuple(_d.values())))

</pallas_src>

<mosaic_0001>
#map = affine_map<(d0, d1) -> (0, 0)>
#map1 = affine_map<(d0, d1) -> (0)>
module attributes {stable_mosaic.version = 14 : i64} {
  func.func @_sc_scatter_body(%arg0: i32, %arg1: i32, %arg2: memref<16384x128xf32, #tpu.memory_space<hbm>>, %arg3: memref<128xi32, #tpu.memory_space<hbm>>, %arg4: memref<16384x512xf32, #tpu.memory_space<hbm>>, %arg5: memref<128xi32, #tpu.memory_space<vmem>>, %arg6: memref<64x128xf32, #tpu.memory_space<vmem>>, %arg7: memref<64x128xf32, #tpu.memory_space<vmem>>, %arg8: memref<64x512xf32, #tpu.memory_space<vmem>>, %arg9: memref<64x512xf32, #tpu.memory_space<vmem>>, %arg10: memref<!tpu.dma_semaphore, #tpu.memory_space<semaphore_mem>>, %arg11: memref<!tpu.dma_semaphore, #tpu.memory_space<semaphore_mem>>, %arg12: memref<!tpu.dma_semaphore, #tpu.memory_space<semaphore_mem>>, %arg13: memref<!tpu.dma_semaphore, #tpu.memory_space<semaphore_mem>>) attributes {dimension_semantics = [#tpu.dimension_semantics<core_parallel>, #tpu.dimension_semantics<subcore_parallel>], iteration_bounds = array<i64: 2, 16>, scalar_prefetch = 0 : i64, scratch_operands = 9 : i64, tpu.core_type = #tpu.core_type<sc_vector_subcore>, window_params = [{transform_indices = #map}, {transform_indices = #map1}, {transform_indices = #map}]} {
    %mul3A = arith.constant 2 : i32
    %mul3A_0 = arith.muli %arg1, %mul3A : i32
    %add3A = arith.addi %mul3A_0, %arg0 : i32
    %mul3A_1 = arith.constant 512 : i32
    %mul3A_2 = arith.muli %add3A, %mul3A_1 : i32
    %add3A_3 = arith.constant 0 : i32
    %add3A_4 = arith.addi %mul3A_2, %add3A_3 : i32
    %dma_start3A = arith.constant 0 : i32
    %dma_start3A_5 = tpu.memref_slice %arg2[%add3A_4, %dma_start3A] : memref<16384x128xf32, #tpu.memory_space<hbm>> -> memref<64x128xf32, #tpu.memory_space<hbm>>
    %dma_start3A_6 = arith.constant 0 : i32
    %dma_start3A_7 = tpu.memref_slice %arg2[%add3A_4, %dma_start3A_6] : memref<16384x128xf32, #tpu.memory_space<hbm>> -> memref<64x128xf32, #tpu.memory_space<hbm>>
    tpu.enqueue_dma source(%dma_start3A_7 : memref<64x128xf32, #tpu.memory_space<hbm>>) target(%arg6 : memref<64x128xf32, #tpu.memory_space<vmem>>) target_semaphore(%arg10 : memref<!tpu.dma_semaphore, #tpu.memory_space<semaphore_mem>>)
    %add3A_8 = arith.constant 64 : i32
    %add3A_9 = arith.addi %mul3A_2, %add3A_8 : i32
    %dma_start3A_10 = arith.constant 0 : i32
    %dma_start3A_11 = tpu.memref_slice %arg2[%add3A_9, %dma_start3A_10] : memref<16384x128xf32, #tpu.memory_space<hbm>> -> memref<64x128xf32, #tpu.memory_space<hbm>>
    %dma_start3A_12 = arith.constant 0 : i32
    %dma_start3A_13 = tpu.memref_slice %arg2[%add3A_9, %dma_start3A_12] : memref<16384x128xf32, #tpu.memory_space<hbm>> -> memref<64x128xf32, #tpu.memory_space<hbm>>
    tpu.enqueue_dma source(%dma_start3A_13 : memref<64x128xf32, #tpu.memory_space<hbm>>) target(%arg7 : memref<64x128xf32, #tpu.memory_space<vmem>>) target_semaphore(%arg11 : memref<!tpu.dma_semaphore, #tpu.memory_space<semaphore_mem>>)
    "tpu.region"() ({
      %run_scoped3A = tpu.sem_alloc : memref<!tpu.dma_semaphore, #tpu.memory_space<semaphore_mem>>
      tpu.enqueue_dma source(%arg3 : memref<128xi32, #tpu.memory_space<hbm>>) target(%arg5 : memref<128xi32, #tpu.memory_space<vmem>>) target_semaphore(%run_scoped3A : memref<!tpu.dma_semaphore, #tpu.memory_space<semaphore_mem>>)
      tpu.wait_dma2 semaphore(%run_scoped3A : memref<!tpu.dma_semaphore, #tpu.memory_space<semaphore_mem>>) src(%arg3 : memref<128xi32, #tpu.memory_space<hbm>>) dst(%arg5 : memref<128xi32, #tpu.memory_space<vmem>>)
      tpu.yield
    }) : () -> ()
    %get3A = arith.constant 0 : index
    %get3A_14 = tpu.vector_load %arg5[%get3A] {strides = array<i32>} : memref<128xi32, #tpu.memory_space<vmem>>, vector<16xi32>,
    %get3A_15 = arith.constant 16 : index
    %get3A_16 = tpu.vector_load %arg5[%get3A_15] {strides = array<i32>} : memref<128xi32, #tpu.memory_space<vmem>>, vector<16xi32>,
    %get3A_17 = arith.constant 32 : index
    %get3A_18 = tpu.vector_load %arg5[%get3A_17] {strides = array<i32>} : memref<128xi32, #tpu.memory_space<vmem>>, vector<16xi32>,
    %get3A_19 = arith.constant 48 : index
    %get3A_20 = tpu.vector_load %arg5[%get3A_19] {strides = array<i32>} : memref<128xi32, #tpu.memory_space<vmem>>, vector<16xi32>,
    %get3A_21 = arith.constant 64 : index
    %get3A_22 = tpu.vector_load %arg5[%get3A_21] {strides = array<i32>} : memref<128xi32, #tpu.memory_space<vmem>>, vector<16xi32>,
    %get3A_23 = arith.constant 80 : index
    %get3A_24 = tpu.vector_load %arg5[%get3A_23] {strides = array<i32>} : memref<128xi32, #tpu.memory_space<vmem>>, vector<16xi32>,
    %get3A_25 = arith.constant 96 : index
    %get3A_26 = tpu.vector_load %arg5[%get3A_25] {strides = array<i32>} : memref<128xi32, #tpu.memory_space<vmem>>, vector<16xi32>,
    %get3A_27 = arith.constant 112 : index
    %get3A_28 = tpu.vector_load %arg5[%get3A_27] {strides = array<i32>} : memref<128xi32, #tpu.memory_space<vmem>>, vector<16xi32>,
    %broadcast_in_dim3A = arith.constant 0.000000e+00 : f32
    %broadcast_in_dim3A_29 = vector.broadcast %broadcast_in_dim3A : f32 to vector<16xf32>
    %scan3A = arith.constant 0 : i32
    %scan3A_30 = arith.constant 0 : i32
    %scan3A_31 = arith.constant 64 : i32
    %scan3A_32 = arith.addi %scan3A_30, %scan3A_31 : i32
    %scan3A_33 = arith.constant 1 : i32
    scf.for %scan3A_146 = %scan3A_30 to %scan3A_32 step %scan3A_33  : i32 {
      %swap3A = arith.index_cast %scan3A_146 : i32 to index
      %swap3A_147 = arith.constant 0 : index
      %swap3A_148 = tpu.vector_load %arg8[%swap3A, %swap3A_147] {strides = array<i32>} : memref<64x512xf32, #tpu.memory_space<vmem>>, vector<16xf32>,
      tpu.vector_store %arg8[%swap3A, %swap3A_147], %broadcast_in_dim3A_29 {strides = array<i32>} : memref<64x512xf32, #tpu.memory_space<vmem>>, vector<16xf32>,
      %swap3A_149 = arith.index_cast %scan3A_146 : i32 to index
      %swap3A_150 = arith.constant 0 : index
      %swap3A_151 = tpu.vector_load %arg9[%swap3A_149, %swap3A_150] {strides = array<i32>} : memref<64x512xf32, #tpu.memory_space<vmem>>, vector<16xf32>,
      tpu.vector_store %arg9[%swap3A_149, %swap3A_150], %broadcast_in_dim3A_29 {strides = array<i32>} : memref<64x512xf32, #tpu.memory_space<vmem>>, vector<16xf32>,
      %swap3A_152 = arith.index_cast %scan3A_146 : i32 to index
      %swap3A_153 = arith.constant 16 : index
      %swap3A_154 = tpu.vector_load %arg8[%swap3A_152, %swap3A_153] {strides = array<i32>} : memref<64x512xf32, #tpu.memory_space<vmem>>, vector<16xf32>,
      tpu.vector_store %arg8[%swap3A_152, %swap3A_153], %broadcast_in_dim3A_29 {strides = array<i32>} : memref<64x512xf32, #tpu.memory_space<vmem>>, vector<16xf32>,
      %swap3A_155 = arith.index_cast %scan3A_146 : i32 to index
      %swap3A_156 = arith.constant 16 : index
      %swap3A_157 = tpu.vector_load %arg9[%swap3A_155, %swap3A_156] {strides = array<i32>} : memref<64x512xf32, #tpu.memory_space<vmem>>, vector<16xf32>,
      tpu.vector_store %arg9[%swap3A_155, %swap3A_156], %broadcast_in_dim3A_29 {strides = array<i32>} : memref<64x512xf32, #tpu.memory_space<vmem>>, vector<16xf32>,
      %swap3A_158 = arith.index_cast %scan3A_146 : i32 to index
      %swap3A_159 = arith.constant 32 : index
      %swap3A_160 = tpu.vector_load %arg8[%swap3A_158, %swap3A_159] {strides = array<i32>} : memref<64x512xf32, #tpu.memory_space<vmem>>, vector<16xf32>,
      tpu.vector_store %arg8[%swap3A_158, %swap3A_159], %broadcast_in_dim3A_29 {strides = array<i32>} : memref<64x512xf32, #tpu.memory_space<vmem>>, vector<16xf32>,
      %swap3A_161 = arith.index_cast %scan3A_146 : i32 to index
      %swap3A_162 = arith.constant 32 : index
      %swap3A_163 = tpu.vector_load %arg9[%swap3A_161, %swap3A_162] {strides = array<i32>} : memref<64x512xf32, #tpu.memory_space<vmem>>, vector<16xf32>,
      tpu.vector_store %arg9[%swap3A_161, %swap3A_162], %broadcast_in_dim3A_29 {strides = array<i32>} : memref<64x512xf32, #tpu.memory_space<vmem>>, vector<16xf32>,
      %swap3A_164 = arith.index_cast %scan3A_146 : i32 to index
      %swap3A_165 = arith.constant 48 : index
      %swap3A_166 = tpu.vector_load %arg8[%swap3A_164, %swap3A_165] {strides = array<i32>} : memref<64x512xf32, #tpu.memory_space<vmem>>, vector<16xf32>,
      tpu.vector_store %arg8[%swap3A_164, %swap3A_165], %broadcast_in_dim3A_29 {strides = array<i32>} : memref<64x512xf32, #tpu.memory_space<vmem>>, vector<16xf32>,
      %swap3A_167 = arith.index_cast %scan3A_146 : i32 to index
      %swap3A_168 = arith.constant 48 : index
      %swap3A_169 = tpu.vector_load %arg9[%swap3A_167, %swap3A_168] {strides = array<i32>} : memref<64x512xf32, #tpu.memory_space<vmem>>, vector<16xf32>,
      tpu.vector_store %arg9[%swap3A_167, %swap3A_168], %broadcast_in_dim3A_29 {strides = array<i32>} : memref<64x512xf32, #tpu.memory_space<vmem>>, vector<16xf32>,
      %swap3A_170 = arith.index_cast %scan3A_146 : i32 to index
      %swap3A_171 = arith.constant 64 : index
      %swap3A_172 = tpu.vector_load %arg8[%swap3A_170, %swap3A_171] {strides = array<i32>} : memref<64x512xf32, #tpu.memory_space<vmem>>, vector<16xf32>,
      tpu.vector_store %arg8[%swap3A_170, %swap3A_171], %broadcast_in_dim3A_29 {strides = array<i32>} : memref<64x512xf32, #tpu.memory_space<vmem>>, vector<16xf32>,
      %swap3A_173 = arith.index_cast %scan3A_146 : i32 to index
      %swap3A_174 = arith.constant 64 : index
      %swap3A_175 = tpu.vector_load %arg9[%swap3A_173, %swap3A_174] {strides = array<i32>} : memref<64x512xf32, #tpu.memory_space<vmem>>, vector<16xf32>,
      tpu.vector_store %arg9[%swap3A_173, %swap3A_174], %broadcast_in_dim3A_29 {strides = array<i32>} : memref<64x512xf32, #tpu.memory_space<vmem>>, vector<16xf32>,
      %swap3A_176 = arith.index_cast %scan3A_146 : i32 to index
      %swap3A_177 = arith.constant 80 : index
      %swap3A_178 = tpu.vector_load %arg8[%swap3A_176, %swap3A_177] {strides = array<i32>} : memref<64x512xf32, #tpu.memory_space<vmem>>, vector<16xf32>,
      tpu.vector_store %arg8[%swap3A_176, %swap3A_177], %broadcast_in_dim3A_29 {strides = array<i32>} : memref<64x512xf32, #tpu.memory_space<vmem>>, vector<16xf32>,
      %swap3A_179 = arith.index_cast %scan3A_146 : i32 to index
      %swap3A_180 = arith.constant 80 : index
      %swap3A_181 = tpu.vector_load %arg9[%swap3A_179, %swap3A_180] {strides = array<i32>} : memref<64x512xf32, #tpu.memory_space<vmem>>, vector<16xf32>,
      tpu.vector_store %arg9[%swap3A_179, %swap3A_180], %broadcast_in_dim3A_29 {strides = array<i32>} : memref<64x512xf32, #tpu.memory_space<vmem>>, vector<16xf32>,
      %swap3A_182 = arith.index_cast %scan3A_146 : i32 to index
      %swap3A_183 = arith.constant 96 : index
      %swap3A_184 = tpu.vector_load %arg8[%swap3A_182, %swap3A_183] {strides = array<i32>} : memref<64x512xf32, #tpu.memory_space<vmem>>, vector<16xf32>,
      tpu.vector_store %arg8[%swap3A_182, %swap3A_183], %broadcast_in_dim3A_29 {strides = array<i32>} : memref<64x512xf32, #tpu.memory_space<vmem>>, vector<16xf32>,
      %swap3A_185 = arith.index_cast %scan3A_146 : i32 to index
      %swap3A_186 = arith.constant 96 : index
      %swap3A_187 = tpu.vector_load %arg9[%swap3A_185, %swap3A_186] {strides = array<i32>} : memref<64x512xf32, #tpu.memory_space<vmem>>, vector<16xf32>,
      tpu.vector_store %arg9[%swap3A_185, %swap3A_186], %broadcast_in_dim3A_29 {strides = array<i32>} : memref<64x512xf32, #tpu.memory_space<vmem>>, vector<16xf32>,
      %swap3A_188 = arith.index_cast %scan3A_146 : i32 to index
      %swap3A_189 = arith.constant 112 : index
      %swap3A_190 = tpu.vector_load %arg8[%swap3A_188, %swap3A_189] {strides = array<i32>} : memref<64x512xf32, #tpu.memory_space<vmem>>, vector<16xf32>,
      tpu.vector_store %arg8[%swap3A_188, %swap3A_189], %broadcast_in_dim3A_29 {strides = array<i32>} : memref<64x512xf32, #tpu.memory_space<vmem>>, vector<16xf32>,
      %swap3A_191 = arith.index_cast %scan3A_146 : i32 to index
      %swap3A_192 = arith.constant 112 : index
      %swap3A_193 = tpu.vector_load %arg9[%swap3A_191, %swap3A_192] {strides = array<i32>} : memref<64x512xf32, #tpu.memory_space<vmem>>, vector<16xf32>,
      tpu.vector_store %arg9[%swap3A_191, %swap3A_192], %broadcast_in_dim3A_29 {strides = array<i32>} : memref<64x512xf32, #tpu.memory_space<vmem>>, vector<16xf32>,
      %swap3A_194 = arith.index_cast %scan3A_146 : i32 to index
      %swap3A_195 = arith.constant 128 : index
      %swap3A_196 = tpu.vector_load %arg8[%swap3A_194, %swap3A_195] {strides = array<i32>} : memref<64x512xf32, #tpu.memory_space<vmem>>, vector<16xf32>,
      tpu.vector_store %arg8[%swap3A_194, %swap3A_195], %broadcast_in_dim3A_29 {strides = array<i32>} : memref<64x512xf32, #tpu.memory_space<vmem>>, vector<16xf32>,
      %swap3A_197 = arith.index_cast %scan3A_146 : i32 to index
      %swap3A_198 = arith.constant 128 : index
      %swap3A_199 = tpu.vector_load %arg9[%swap3A_197, %swap3A_198] {strides = array<i32>} : memref<64x512xf32, #tpu.memory_space<vmem>>, vector<16xf32>,
      tpu.vector_store %arg9[%swap3A_197, %swap3A_198], %broadcast_in_dim3A_29 {strides = array<i32>} : memref<64x512xf32, #tpu.memory_space<vmem>>, vector<16xf32>,
      %swap3A_200 = arith.index_cast %scan3A_146 : i32 to index
      %swap3A_201 = arith.constant 144 : index
      %swap3A_202 = tpu.vector_load %arg8[%swap3A_200, %swap3A_201] {strides = array<i32>} : memref<64x512xf32, #tpu.memory_space<vmem>>, vector<16xf32>,
      tpu.vector_store %arg8[%swap3A_200, %swap3A_201], %broadcast_in_dim3A_29 {strides = array<i32>} : memref<64x512xf32, #tpu.memory_space<vmem>>, vector<16xf32>,
      %swap3A_203 = arith.index_cast %scan3A_146 : i32 to index
      %swap3A_204 = arith.constant 144 : index
      %swap3A_205 = tpu.vector_load %arg9[%swap3A_203, %swap3A_204] {strides = array<i32>} : memref<64x512xf32, #tpu.memory_space<vmem>>, vector<16xf32>,
      tpu.vector_store %arg9[%swap3A_203, %swap3A_204], %broadcast_in_dim3A_29 {strides = array<i32>} : memref<64x512xf32, #tpu.memory_space<vmem>>, vector<16xf32>,
      %swap3A_206 = arith.index_cast %scan3A_146 : i32 to index
      %swap3A_207 = arith.constant 160 : index
      %swap3A_208 = tpu.vector_load %arg8[%swap3A_206, %swap3A_207] {strides = array<i32>} : memref<64x512xf32, #tpu.memory_space<vmem>>, vector<16xf32>,
      tpu.vector_store %arg8[%swap3A_206, %swap3A_207], %broadcast_in_dim3A_29 {strides = array<i32>} : memref<64x512xf32, #tpu.memory_space<vmem>>, vector<16xf32>,
      %swap3A_209 = arith.index_cast %scan3A_146 : i32 to index
      %swap3A_210 = arith.constant 160 : index
      %swap3A_211 = tpu.vector_load %arg9[%swap3A_209, %swap3A_210] {strides = array<i32>} : memref<64x512xf32, #tpu.memory_space<vmem>>, vector<16xf32>,
      tpu.vector_store %arg9[%swap3A_209, %swap3A_210], %broadcast_in_dim3A_29 {strides = array<i32>} : memref<64x512xf32, #tpu.memory_space<vmem>>, vector<16xf32>,
      %swap3A_212 = arith.index_cast %scan3A_146 : i32 to index
      %swap3A_213 = arith.constant 176 : index
      %swap3A_214 = tpu.vector_load %arg8[%swap3A_212, %swap3A_213] {strides = array<i32>} : memref<64x512xf32, #tpu.memory_space<vmem>>, vector<16xf32>,
      tpu.vector_store %arg8[%swap3A_212, %swap3A_213], %broadcast_in_dim3A_29 {strides = array<i32>} : memref<64x512xf32, #tpu.memory_space<vmem>>, vector<16xf32>,
      %swap3A_215 = arith.index_cast %scan3A_146 : i32 to index
      %swap3A_216 = arith.constant 176 : index
      %swap3A_217 = tpu.vector_load %arg9[%swap3A_215, %swap3A_216] {strides = array<i32>} : memref<64x512xf32, #tpu.memory_space<vmem>>, vector<16xf32>,
      tpu.vector_store %arg9[%swap3A_215, %swap3A_216], %broadcast_in_dim3A_29 {strides = array<i32>} : memref<64x512xf32, #tpu.memory_space<vmem>>, vector<16xf32>,
      %swap3A_218 = arith.index_cast %scan3A_146 : i32 to index
      %swap3A_219 = arith.constant 192 : index
      %swap3A_220 = tpu.vector_load %arg8[%swap3A_218, %swap3A_219] {strides = array<i32>} : memref<64x512xf32, #tpu.memory_space<vmem>>, vector<16xf32>,
      tpu.vector_store %arg8[%swap3A_218, %swap3A_219], %broadcast_in_dim3A_29 {strides = array<i32>} : memref<64x512xf32, #tpu.memory_space<vmem>>, vector<16xf32>,
      %swap3A_221 = arith.index_cast %scan3A_146 : i32 to index
      %swap3A_222 = arith.constant 192 : index
      %swap3A_223 = tpu.vector_load %arg9[%swap3A_221, %swap3A_222] {strides = array<i32>} : memref<64x512xf32, #tpu.memory_space<vmem>>, vector<16xf32>,
      tpu.vector_store %arg9[%swap3A_221, %swap3A_222], %broadcast_in_dim3A_29 {strides = array<i32>} : memref<64x512xf32, #tpu.memory_space<vmem>>, vector<16xf32>,
      %swap3A_224 = arith.index_cast %scan3A_146 : i32 to index
      %swap3A_225 = arith.constant 208 : index
      %swap3A_226 = tpu.vector_load %arg8[%swap3A_224, %swap3A_225] {strides = array<i32>} : memref<64x512xf32, #tpu.memory_space<vmem>>, vector<16xf32>,
      tpu.vector_store %arg8[%swap3A_224, %swap3A_225], %broadcast_in_dim3A_29 {strides = array<i32>} : memref<64x512xf32, #tpu.memory_space<vmem>>, vector<16xf32>,
      %swap3A_227 = arith.index_cast %scan3A_146 : i32 to index
      %swap3A_228 = arith.constant 208 : index
      %swap3A_229 = tpu.vector_load %arg9[%swap3A_227, %swap3A_228] {strides = array<i32>} : memref<64x512xf32, #tpu.memory_space<vmem>>, vector<16xf32>,
      tpu.vector_store %arg9[%swap3A_227, %swap3A_228], %broadcast_in_dim3A_29 {strides = array<i32>} : memref<64x512xf32, #tpu.memory_space<vmem>>, vector<16xf32>,
      %swap3A_230 = arith.index_cast %scan3A_146 : i32 to index
      %swap3A_231 = arith.constant 224 : index
      %swap3A_232 = tpu.vector_load %arg8[%swap3A_230, %swap3A_231] {strides = array<i32>} : memref<64x512xf32, #tpu.memory_space<vmem>>, vector<16xf32>,
      tpu.vector_store %arg8[%swap3A_230, %swap3A_231], %broadcast_in_dim3A_29 {strides = array<i32>} : memref<64x512xf32, #tpu.memory_space<vmem>>, vector<16xf32>,
      %swap3A_233 = arith.index_cast %scan3A_146 : i32 to index
      %swap3A_234 = arith.constant 224 : index
      %swap3A_235 = tpu.vector_load %arg9[%swap3A_233, %swap3A_234] {strides = array<i32>} : memref<64x512xf32, #tpu.memory_space<vmem>>, vector<16xf32>,
      tpu.vector_store %arg9[%swap3A_233, %swap3A_234], %broadcast_in_dim3A_29 {strides = array<i32>} : memref<64x512xf32, #tpu.memory_space<vmem>>, vector<16xf32>,
      %swap3A_236 = arith.index_cast %scan3A_146 : i32 to index
      %swap3A_237 = arith.constant 240 : index
      %swap3A_238 = tpu.vector_load %arg8[%swap3A_236, %swap3A_237] {strides = array<i32>} : memref<64x512xf32, #tpu.memory_space<vmem>>, vector<16xf32>,
      tpu.vector_store %arg8[%swap3A_236, %swap3A_237], %broadcast_in_dim3A_29 {strides = array<i32>} : memref<64x512xf32, #tpu.memory_space<vmem>>, vector<16xf32>,
      %swap3A_239 = arith.index_cast %scan3A_146 : i32 to index
      %swap3A_240 = arith.constant 240 : index
      %swap3A_241 = tpu.vector_load %arg9[%swap3A_239, %swap3A_240] {strides = array<i32>} : memref<64x512xf32, #tpu.memory_space<vmem>>, vector<16xf32>,
      tpu.vector_store %arg9[%swap3A_239, %swap3A_240], %broadcast_in_dim3A_29 {strides = array<i32>} : memref<64x512xf32, #tpu.memory_space<vmem>>, vector<16xf32>,
      %swap3A_242 = arith.index_cast %scan3A_146 : i32 to index
      %swap3A_243 = arith.constant 256 : index
      %swap3A_244 = tpu.vector_load %arg8[%swap3A_242, %swap3A_243] {strides = array<i32>} : memref<64x512xf32, #tpu.memory_space<vmem>>, vector<16xf32>,
      tpu.vector_store %arg8[%swap3A_242, %swap3A_243], %broadcast_in_dim3A_29 {strides = array<i32>} : memref<64x512xf32, #tpu.memory_space<vmem>>, vector<16xf32>,
      %swap3A_245 = arith.index_cast %scan3A_146 : i32 to index
      %swap3A_246 = arith.constant 256 : index
      %swap3A_247 = tpu.vector_load %arg9[%swap3A_245, %swap3A_246] {strides = array<i32>} : memref<64x512xf32, #tpu.memory_space<vmem>>, vector<16xf32>,
      tpu.vector_store %arg9[%swap3A_245, %swap3A_246], %broadcast_in_dim3A_29 {strides = array<i32>} : memref<64x512xf32, #tpu.memory_space<vmem>>, vector<16xf32>,
      %swap3A_248 = arith.index_cast %scan3A_146 : i32 to index
      %swap3A_249 = arith.constant 272 : index
      %swap3A_250 = tpu.vector_load %arg8[%swap3A_248, %swap3A_249] {strides = array<i32>} : memref<64x512xf32, #tpu.memory_space<vmem>>, vector<16xf32>,
      tpu.vector_store %arg8[%swap3A_248, %swap3A_249], %broadcast_in_dim3A_29 {strides = array<i32>} : memref<64x512xf32, #tpu.memory_space<vmem>>, vector<16xf32>,
      %swap3A_251 = arith.index_cast %scan3A_146 : i32 to index
      %swap3A_252 = arith.constant 272 : index
      %swap3A_253 = tpu.vector_load %arg9[%swap3A_251, %swap3A_252] {strides = array<i32>} : memref<64x512xf32, #tpu.memory_space<vmem>>, vector<16xf32>,
      tpu.vector_store %arg9[%swap3A_251, %swap3A_252], %broadcast_in_dim3A_29 {strides = array<i32>} : memref<64x512xf32, #tpu.memory_space<vmem>>, vector<16xf32>,
      %swap3A_254 = arith.index_cast %scan3A_146 : i32 to index
      %swap3A_255 = arith.constant 288 : index
      %swap3A_256 = tpu.vector_load %arg8[%swap3A_254, %swap3A_255] {strides = array<i32>} : memref<64x512xf32, #tpu.memory_space<vmem>>, vector<16xf32>,
      tpu.vector_store %arg8[%swap3A_254, %swap3A_255], %broadcast_in_dim3A_29 {strides = array<i32>} : memref<64x512xf32, #tpu.memory_space<vmem>>, vector<16xf32>,
      %swap3A_257 = arith.index_cast %scan3A_146 : i32 to index
      %swap3A_258 = arith.constant 288 : index
      %swap3A_259 = tpu.vector_load %arg9[%swap3A_257, %swap3A_258] {strides = array<i32>} : memref<64x512xf32, #tpu.memory_space<vmem>>, vector<16xf32>,
      tpu.vector_store %arg9[%swap3A_257, %swap3A_258], %broadcast_in_dim3A_29 {strides = array<i32>} : memref<64x512xf32, #tpu.memory_space<vmem>>, vector<16xf32>,
      %swap3A_260 = arith.index_cast %scan3A_146 : i32 to index
      %swap3A_261 = arith.constant 304 : index
      %swap3A_262 = tpu.vector_load %arg8[%swap3A_260, %swap3A_261] {strides = array<i32>} : memref<64x512xf32, #tpu.memory_space<vmem>>, vector<16xf32>,
      tpu.vector_store %arg8[%swap3A_260, %swap3A_261], %broadcast_in_dim3A_29 {strides = array<i32>} : memref<64x512xf32, #tpu.memory_space<vmem>>, vector<16xf32>,
      %swap3A_263 = arith.index_cast %scan3A_146 : i32 to index
      %swap3A_264 = arith.constant 304 : index
      %swap3A_265 = tpu.vector_load %arg9[%swap3A_263, %swap3A_264] {strides = array<i32>} : memref<64x512xf32, #tpu.memory_space<vmem>>, vector<16xf32>,
      tpu.vector_store %arg9[%swap3A_263, %swap3A_264], %broadcast_in_dim3A_29 {strides = array<i32>} : memref<64x512xf32, #tpu.memory_space<vmem>>, vector<16xf32>,
      %swap3A_266 = arith.index_cast %scan3A_146 : i32 to index
      %swap3A_267 = arith.constant 320 : index
      %swap3A_268 = tpu.vector_load %arg8[%swap3A_266, %swap3A_267] {strides = array<i32>} : memref<64x512xf32, #tpu.memory_space<vmem>>, vector<16xf32>,
      tpu.vector_store %arg8[%swap3A_266, %swap3A_267], %broadcast_in_dim3A_29 {strides = array<i32>} : memref<64x512xf32, #tpu.memory_space<vmem>>, vector<16xf32>,
      %swap3A_269 = arith.index_cast %scan3A_146 : i32 to index
      %swap3A_270 = arith.constant 320 : index
      %swap3A_271 = tpu.vector_load %arg9[%swap3A_269, %swap3A_270] {strides = array<i32>} : memref<64x512xf32, #tpu.memory_space<vmem>>, vector<16xf32>,
      tpu.vector_store %arg9[%swap3A_269, %swap3A_270], %broadcast_in_dim3A_29 {strides = array<i32>} : memref<64x512xf32, #tpu.memory_space<vmem>>, vector<16xf32>,
      %swap3A_272 = arith.index_cast %scan3A_146 : i32 to index
      %swap3A_273 = arith.constant 336 : index
      %swap3A_274 = tpu.vector_load %arg8[%swap3A_272, %swap3A_273] {strides = array<i32>} : memref<64x512xf32, #tpu.memory_space<vmem>>, vector<16xf32>,
      tpu.vector_store %arg8[%swap3A_272, %swap3A_273], %broadcast_in_dim3A_29 {strides = array<i32>} : memref<64x512xf32, #tpu.memory_space<vmem>>, vector<16xf32>,
      %swap3A_275 = arith.index_cast %scan3A_146 : i32 to index
      %swap3A_276 = arith.constant 336 : index
      %swap3A_277 = tpu.vector_load %arg9[%swap3A_275, %swap3A_276] {strides = array<i32>} : memref<64x512xf32, #tpu.memory_space<vmem>>, vector<16xf32>,
      tpu.vector_store %arg9[%swap3A_275, %swap3A_276], %broadcast_in_dim3A_29 {strides = array<i32>} : memref<64x512xf32, #tpu.memory_space<vmem>>, vector<16xf32>,
      %swap3A_278 = arith.index_cast %scan3A_146 : i32 to index
      %swap3A_279 = arith.constant 352 : index
      %swap3A_280 = tpu.vector_load %arg8[%swap3A_278, %swap3A_279] {strides = array<i32>} : memref<64x512xf32, #tpu.memory_space<vmem>>, vector<16xf32>,
      tpu.vector_store %arg8[%swap3A_278, %swap3A_279], %broadcast_in_dim3A_29 {strides = array<i32>} : memref<64x512xf32, #tpu.memory_space<vmem>>, vector<16xf32>,
      %swap3A_281 = arith.index_cast %scan3A_146 : i32 to index
      %swap3A_282 = arith.constant 352 : index
      %swap3A_283 = tpu.vector_load %arg9[%swap3A_281, %swap3A_282] {strides = array<i32>} : memref<64x512xf32, #tpu.memory_space<vmem>>, vector<16xf32>,
      tpu.vector_store %arg9[%swap3A_281, %swap3A_282], %broadcast_in_dim3A_29 {strides = array<i32>} : memref<64x512xf32, #tpu.memory_space<vmem>>, vector<16xf32>,
      %swap3A_284 = arith.index_cast %scan3A_146 : i32 to index
      %swap3A_285 = arith.constant 368 : index
      %swap3A_286 = tpu.vector_load %arg8[%swap3A_284, %swap3A_285] {strides = array<i32>} : memref<64x512xf32, #tpu.memory_space<vmem>>, vector<16xf32>,
      tpu.vector_store %arg8[%swap3A_284, %swap3A_285], %broadcast_in_dim3A_29 {strides = array<i32>} : memref<64x512xf32, #tpu.memory_space<vmem>>, vector<16xf32>,
      %swap3A_287 = arith.index_cast %scan3A_146 : i32 to index
      %swap3A_288 = arith.constant 368 : index
      %swap3A_289 = tpu.vector_load %arg9[%swap3A_287, %swap3A_288] {strides = array<i32>} : memref<64x512xf32, #tpu.memory_space<vmem>>, vector<16xf32>,
      tpu.vector_store %arg9[%swap3A_287, %swap3A_288], %broadcast_in_dim3A_29 {strides = array<i32>} : memref<64x512xf32, #tpu.memory_space<vmem>>, vector<16xf32>,
      %swap3A_290 = arith.index_cast %scan3A_146 : i32 to index
      %swap3A_291 = arith.constant 384 : index
      %swap3A_292 = tpu.vector_load %arg8[%swap3A_290, %swap3A_291] {strides = array<i32>} : memref<64x512xf32, #tpu.memory_space<vmem>>, vector<16xf32>,
      tpu.vector_store %arg8[%swap3A_290, %swap3A_291], %broadcast_in_dim3A_29 {strides = array<i32>} : memref<64x512xf32, #tpu.memory_space<vmem>>, vector<16xf32>,
      %swap3A_293 = arith.index_cast %scan3A_146 : i32 to index
      %swap3A_294 = arith.constant 384 : index
      %swap3A_295 = tpu.vector_load %arg9[%swap3A_293, %swap3A_294] {strides = array<i32>} : memref<64x512xf32, #tpu.memory_space<vmem>>, vector<16xf32>,
      tpu.vector_store %arg9[%swap3A_293, %swap3A_294], %broadcast_in_dim3A_29 {strides = array<i32>} : memref<64x512xf32, #tpu.memory_space<vmem>>, vector<16xf32>,
      %swap3A_296 = arith.index_cast %scan3A_146 : i32 to index
      %swap3A_297 = arith.constant 400 : index
      %swap3A_298 = tpu.vector_load %arg8[%swap3A_296, %swap3A_297] {strides = array<i32>} : memref<64x512xf32, #tpu.memory_space<vmem>>, vector<16xf32>,
      tpu.vector_store %arg8[%swap3A_296, %swap3A_297], %broadcast_in_dim3A_29 {strides = array<i32>} : memref<64x512xf32, #tpu.memory_space<vmem>>, vector<16xf32>,
      %swap3A_299 = arith.index_cast %scan3A_146 : i32 to index
      %swap3A_300 = arith.constant 400 : index
      %swap3A_301 = tpu.vector_load %arg9[%swap3A_299, %swap3A_300] {strides = array<i32>} : memref<64x512xf32, #tpu.memory_space<vmem>>, vector<16xf32>,
      tpu.vector_store %arg9[%swap3A_299, %swap3A_300], %broadcast_in_dim3A_29 {strides = array<i32>} : memref<64x512xf32, #tpu.memory_space<vmem>>, vector<16xf32>,
      %swap3A_302 = arith.index_cast %scan3A_146 : i32 to index
      %swap3A_303 = arith.constant 416 : index
      %swap3A_304 = tpu.vector_load %arg8[%swap3A_302, %swap3A_303] {strides = array<i32>} : memref<64x512xf32, #tpu.memory_space<vmem>>, vector<16xf32>,
      tpu.vector_store %arg8[%swap3A_302, %swap3A_303], %broadcast_in_dim3A_29 {strides = array<i32>} : memref<64x512xf32, #tpu.memory_space<vmem>>, vector<16xf32>,
      %swap3A_305 = arith.index_cast %scan3A_146 : i32 to index
      %swap3A_306 = arith.constant 416 : index
      %swap3A_307 = tpu.vector_load %arg9[%swap3A_305, %swap3A_306] {strides = array<i32>} : memref<64x512xf32, #tpu.memory_space<vmem>>, vector<16xf32>,
      tpu.vector_store %arg9[%swap3A_305, %swap3A_306], %broadcast_in_dim3A_29 {strides = array<i32>} : memref<64x512xf32, #tpu.memory_space<vmem>>, vector<16xf32>,
      %swap3A_308 = arith.index_cast %scan3A_146 : i32 to index
      %swap3A_309 = arith.constant 432 : index
      %swap3A_310 = tpu.vector_load %arg8[%swap3A_308, %swap3A_309] {strides = array<i32>} : memref<64x512xf32, #tpu.memory_space<vmem>>, vector<16xf32>,
      tpu.vector_store %arg8[%swap3A_308, %swap3A_309], %broadcast_in_dim3A_29 {strides = array<i32>} : memref<64x512xf32, #tpu.memory_space<vmem>>, vector<16xf32>,
      %swap3A_311 = arith.index_cast %scan3A_146 : i32 to index
      %swap3A_312 = arith.constant 432 : index
      %swap3A_313 = tpu.vector_load %arg9[%swap3A_311, %swap3A_312] {strides = array<i32>} : memref<64x512xf32, #tpu.memory_space<vmem>>, vector<16xf32>,
      tpu.vector_store %arg9[%swap3A_311, %swap3A_312], %broadcast_in_dim3A_29 {strides = array<i32>} : memref<64x512xf32, #tpu.memory_space<vmem>>, vector<16xf32>,
      %swap3A_314 = arith.index_cast %scan3A_146 : i32 to index
      %swap3A_315 = arith.constant 448 : index
      %swap3A_316 = tpu.vector_load %arg8[%swap3A_314, %swap3A_315] {strides = array<i32>} : memref<64x512xf32, #tpu.memory_space<vmem>>, vector<16xf32>,
      tpu.vector_store %arg8[%swap3A_314, %swap3A_315], %broadcast_in_dim3A_29 {strides = array<i32>} : memref<64x512xf32, #tpu.memory_space<vmem>>, vector<16xf32>,
      %swap3A_317 = arith.index_cast %scan3A_146 : i32 to index
      %swap3A_318 = arith.constant 448 : index
      %swap3A_319 = tpu.vector_load %arg9[%swap3A_317, %swap3A_318] {strides = array<i32>} : memref<64x512xf32, #tpu.memory_space<vmem>>, vector<16xf32>,
      tpu.vector_store %arg9[%swap3A_317, %swap3A_318], %broadcast_in_dim3A_29 {strides = array<i32>} : memref<64x512xf32, #tpu.memory_space<vmem>>, vector<16xf32>,
      %swap3A_320 = arith.index_cast %scan3A_146 : i32 to index
      %swap3A_321 = arith.constant 464 : index
      %swap3A_322 = tpu.vector_load %arg8[%swap3A_320, %swap3A_321] {strides = array<i32>} : memref<64x512xf32, #tpu.memory_space<vmem>>, vector<16xf32>,
      tpu.vector_store %arg8[%swap3A_320, %swap3A_321], %broadcast_in_dim3A_29 {strides = array<i32>} : memref<64x512xf32, #tpu.memory_space<vmem>>, vector<16xf32>,
      %swap3A_323 = arith.index_cast %scan3A_146 : i32 to index
      %swap3A_324 = arith.constant 464 : index
      %swap3A_325 = tpu.vector_load %arg9[%swap3A_323, %swap3A_324] {strides = array<i32>} : memref<64x512xf32, #tpu.memory_space<vmem>>, vector<16xf32>,
      tpu.vector_store %arg9[%swap3A_323, %swap3A_324], %broadcast_in_dim3A_29 {strides = array<i32>} : memref<64x512xf32, #tpu.memory_space<vmem>>, vector<16xf32>,
      %swap3A_326 = arith.index_cast %scan3A_146 : i32 to index
      %swap3A_327 = arith.constant 480 : index
      %swap3A_328 = tpu.vector_load %arg8[%swap3A_326, %swap3A_327] {strides = array<i32>} : memref<64x512xf32, #tpu.memory_space<vmem>>, vector<16xf32>,
      tpu.vector_store %arg8[%swap3A_326, %swap3A_327], %broadcast_in_dim3A_29 {strides = array<i32>} : memref<64x512xf32, #tpu.memory_space<vmem>>, vector<16xf32>,
      %swap3A_329 = arith.index_cast %scan3A_146 : i32 to index
      %swap3A_330 = arith.constant 480 : index
      %swap3A_331 = tpu.vector_load %arg9[%swap3A_329, %swap3A_330] {strides = array<i32>} : memref<64x512xf32, #tpu.memory_space<vmem>>, vector<16xf32>,
      tpu.vector_store %arg9[%swap3A_329, %swap3A_330], %broadcast_in_dim3A_29 {strides = array<i32>} : memref<64x512xf32, #tpu.memory_space<vmem>>, vector<16xf32>,
      %swap3A_332 = arith.index_cast %scan3A_146 : i32 to index
      %swap3A_333 = arith.constant 496 : index
      %swap3A_334 = tpu.vector_load %arg8[%swap3A_332, %swap3A_333] {strides = array<i32>} : memref<64x512xf32, #tpu.memory_space<vmem>>, vector<16xf32>,
      tpu.vector_store %arg8[%swap3A_332, %swap3A_333], %broadcast_in_dim3A_29 {strides = array<i32>} : memref<64x512xf32, #tpu.memory_space<vmem>>, vector<16xf32>,
      %swap3A_335 = arith.index_cast %scan3A_146 : i32 to index
      %swap3A_336 = arith.constant 496 : index
      %swap3A_337 = tpu.vector_load %arg9[%swap3A_335, %swap3A_336] {strides = array<i32>} : memref<64x512xf32, #tpu.memory_space<vmem>>, vector<16xf32>,
      tpu.vector_store %arg9[%swap3A_335, %swap3A_336], %broadcast_in_dim3A_29 {strides = array<i32>} : memref<64x512xf32, #tpu.memory_space<vmem>>, vector<16xf32>,
    }
    %scan3A_34 = arith.constant 64 : i32
    %scan3A_35 = arith.constant 0 : i32
    %scan3A_36 = arith.constant 0 : i32
    %scan3A_37 = arith.constant 3 : i32
    %scan3A_38 = arith.addi %scan3A_36, %scan3A_37 : i32
    %scan3A_39 = arith.constant 1 : i32
    scf.for %scan3A_146 = %scan3A_36 to %scan3A_38 step %scan3A_39  : i32 {
      %mul3A_147 = arith.constant 2 : i32
      %mul3A_148 = arith.muli %mul3A_147, %scan3A_146 : i32
      %add3A_149 = arith.constant 0 : i32
      %add3A_150 = arith.addi %mul3A_148, %add3A_149 : i32
      %mul3A_151 = arith.constant 64 : i32
      %mul3A_152 = arith.muli %add3A_150, %mul3A_151 : i32
      %add3A_153 = arith.addi %mul3A_2, %mul3A_152 : i32
      %dma_wait3A_154 = arith.constant 0 : i32
      %dma_wait3A_155 = tpu.memref_slice %arg2[%add3A_153, %dma_wait3A_154] : memref<16384x128xf32, #tpu.memory_space<hbm>> -> memref<64x128xf32, #tpu.memory_space<hbm>>
      %dma_wait3A_156 = arith.constant 0 : i32
      %dma_wait3A_157 = tpu.memref_slice %arg2[%add3A_153, %dma_wait3A_156] : memref<16384x128xf32, #tpu.memory_space<hbm>> -> memref<64x128xf32, #tpu.memory_space<hbm>>
      tpu.wait_dma2 semaphore(%arg10 : memref<!tpu.dma_semaphore, #tpu.memory_space<semaphore_mem>>) src(%dma_wait3A_157 : memref<64x128xf32, #tpu.memory_space<hbm>>) dst(%arg6 : memref<64x128xf32, #tpu.memory_space<vmem>>)
      %ge3A = arith.constant 2 : i32
      %ge3A_158 = arith.cmpi sge, %add3A_150, %ge3A : i32
      %convert_element_type3A = arith.extui %ge3A_158 : i1 to i32
      %cond3A = arith.constant 0 : i32
      %cond3A_159 = arith.cmpi ne, %convert_element_type3A, %cond3A : i32
      scf.if %cond3A_159 {
        %sub3A = arith.constant 2 : i32
        %sub3A_215 = arith.subi %add3A_150, %sub3A : i32
        %mul3A_216 = arith.constant 64 : i32
        %mul3A_217 = arith.muli %sub3A_215, %mul3A_216 : i32
        %add3A_218 = arith.addi %mul3A_2, %mul3A_217 : i32
        %dma_wait3A_219 = arith.constant 0 : i32
        %dma_wait3A_220 = tpu.memref_slice %arg4[%add3A_218, %dma_wait3A_219] : memref<16384x512xf32, #tpu.memory_space<hbm>> -> memref<64x512xf32, #tpu.memory_space<hbm>>
        %dma_wait3A_221 = arith.constant 0 : i32
        %dma_wait3A_222 = tpu.memref_slice %arg4[%add3A_218, %dma_wait3A_221] : memref<16384x512xf32, #tpu.memory_space<hbm>> -> memref<64x512xf32, #tpu.memory_space<hbm>>
        tpu.wait_dma2 semaphore(%arg12 : memref<!tpu.dma_semaphore, #tpu.memory_space<semaphore_mem>>) src(%arg8 : memref<64x512xf32, #tpu.memory_space<vmem>>) dst(%dma_wait3A_222 : memref<64x512xf32, #tpu.memory_space<hbm>>)
      } else {
      }
      %scan3A_160 = arith.constant 0 : i32
      %scan3A_161 = arith.constant 0 : i32
      %scan3A_162 = arith.constant 64 : i32
      %scan3A_163 = arith.addi %scan3A_161, %scan3A_162 : i32
      %scan3A_164 = arith.constant 1 : i32
      scf.for %scan3A_215 = %scan3A_161 to %scan3A_163 step %scan3A_164  : i32 {
        %broadcast_in_dim3A_216 = vector.broadcast %scan3A_215 : i32 to vector<16xi32>
        %get3A_217 = arith.index_cast %scan3A_215 : i32 to index
        %get3A_218 = arith.constant 0 : index
        %get3A_219 = tpu.vector_load %arg6[%get3A_217, %get3A_218] {strides = array<i32>} : memref<64x128xf32, #tpu.memory_space<vmem>>, vector<16xf32>,
        tpu.vector_store_idx %arg8[%broadcast_in_dim3A_216, %get3A_14], %get3A_219 : memref<64x512xf32, #tpu.memory_space<vmem>>[vector<16xi32>, vector<16xi32>], vector<16xf32>,
        %get3A_220 = arith.index_cast %scan3A_215 : i32 to index
        %get3A_221 = arith.constant 16 : index
        %get3A_222 = tpu.vector_load %arg6[%get3A_220, %get3A_221] {strides = array<i32>} : memref<64x128xf32, #tpu.memory_space<vmem>>, vector<16xf32>,
        tpu.vector_store_idx %arg8[%broadcast_in_dim3A_216, %get3A_16], %get3A_222 : memref<64x512xf32, #tpu.memory_space<vmem>>[vector<16xi32>, vector<16xi32>], vector<16xf32>,
        %get3A_223 = arith.index_cast %scan3A_215 : i32 to index
        %get3A_224 = arith.constant 32 : index
        %get3A_225 = tpu.vector_load %arg6[%get3A_223, %get3A_224] {strides = array<i32>} : memref<64x128xf32, #tpu.memory_space<vmem>>, vector<16xf32>,
        tpu.vector_store_idx %arg8[%broadcast_in_dim3A_216, %get3A_18], %get3A_225 : memref<64x512xf32, #tpu.memory_space<vmem>>[vector<16xi32>, vector<16xi32>], vector<16xf32>,
        %get3A_226 = arith.index_cast %scan3A_215 : i32 to index
        %get3A_227 = arith.constant 48 : index
        %get3A_228 = tpu.vector_load %arg6[%get3A_226, %get3A_227] {strides = array<i32>} : memref<64x128xf32, #tpu.memory_space<vmem>>, vector<16xf32>,
        tpu.vector_store_idx %arg8[%broadcast_in_dim3A_216, %get3A_20], %get3A_228 : memref<64x512xf32, #tpu.memory_space<vmem>>[vector<16xi32>, vector<16xi32>], vector<16xf32>,
        %get3A_229 = arith.index_cast %scan3A_215 : i32 to index
        %get3A_230 = arith.constant 64 : index
        %get3A_231 = tpu.vector_load %arg6[%get3A_229, %get3A_230] {strides = array<i32>} : memref<64x128xf32, #tpu.memory_space<vmem>>, vector<16xf32>,
        tpu.vector_store_idx %arg8[%broadcast_in_dim3A_216, %get3A_22], %get3A_231 : memref<64x512xf32, #tpu.memory_space<vmem>>[vector<16xi32>, vector<16xi32>], vector<16xf32>,
        %get3A_232 = arith.index_cast %scan3A_215 : i32 to index
        %get3A_233 = arith.constant 80 : index
        %get3A_234 = tpu.vector_load %arg6[%get3A_232, %get3A_233] {strides = array<i32>} : memref<64x128xf32, #tpu.memory_space<vmem>>, vector<16xf32>,
        tpu.vector_store_idx %arg8[%broadcast_in_dim3A_216, %get3A_24], %get3A_234 : memref<64x512xf32, #tpu.memory_space<vmem>>[vector<16xi32>, vector<16xi32>], vector<16xf32>,
        %get3A_235 = arith.index_cast %scan3A_215 : i32 to index
        %get3A_236 = arith.constant 96 : index
        %get3A_237 = tpu.vector_load %arg6[%get3A_235, %get3A_236] {strides = array<i32>} : memref<64x128xf32, #tpu.memory_space<vmem>>, vector<16xf32>,
        tpu.vector_store_idx %arg8[%broadcast_in_dim3A_216, %get3A_26], %get3A_237 : memref<64x512xf32, #tpu.memory_space<vmem>>[vector<16xi32>, vector<16xi32>], vector<16xf32>,
        %get3A_238 = arith.index_cast %scan3A_215 : i32 to index
        %get3A_239 = arith.constant 112 : index
        %get3A_240 = tpu.vector_load %arg6[%get3A_238, %get3A_239] {strides = array<i32>} : memref<64x128xf32, #tpu.memory_space<vmem>>, vector<16xf32>,
        tpu.vector_store_idx %arg8[%broadcast_in_dim3A_216, %get3A_28], %get3A_240 : memref<64x512xf32, #tpu.memory_space<vmem>>[vector<16xi32>, vector<16xi32>], vector<16xf32>,
      }
      %scan3A_165 = arith.constant 64 : i32
      %mul3A_166 = arith.constant 64 : i32
      %mul3A_167 = arith.muli %add3A_150, %mul3A_166 : i32
      %add3A_168 = arith.addi %mul3A_2, %mul3A_167 : i32
      %dma_start3A_169 = arith.constant 0 : i32
      %dma_start3A_170 = tpu.memref_slice %arg4[%add3A_168, %dma_start3A_169] : memref<16384x512xf32, #tpu.memory_space<hbm>> -> memref<64x512xf32, #tpu.memory_space<hbm>>
      %dma_start3A_171 = arith.constant 0 : i32
      %dma_start3A_172 = tpu.memref_slice %arg4[%add3A_168, %dma_start3A_171] : memref<16384x512xf32, #tpu.memory_space<hbm>> -> memref<64x512xf32, #tpu.memory_space<hbm>>
      tpu.enqueue_dma source(%arg8 : memref<64x512xf32, #tpu.memory_space<vmem>>) target(%dma_start3A_172 : memref<64x512xf32, #tpu.memory_space<hbm>>) target_semaphore(%arg12 : memref<!tpu.dma_semaphore, #tpu.memory_space<semaphore_mem>>)
      %add3A_173 = arith.constant 2 : i32
      %add3A_174 = arith.addi %add3A_150, %add3A_173 : i32
      %lt3A = arith.constant 8 : i32
      %lt3A_175 = arith.cmpi slt, %add3A_174, %lt3A : i32
      %convert_element_type3A_176 = arith.extui %lt3A_175 : i1 to i32
      %cond3A_177 = arith.constant 0 : i32
      %cond3A_178 = arith.cmpi ne, %convert_element_type3A_176, %cond3A_177 : i32
      scf.if %cond3A_178 {
        %add3A_215 = arith.constant 2 : i32
        %add3A_216 = arith.addi %add3A_150, %add3A_215 : i32
        %mul3A_217 = arith.constant 64 : i32
        %mul3A_218 = arith.muli %add3A_216, %mul3A_217 : i32
        %add3A_219 = arith.addi %mul3A_2, %mul3A_218 : i32
        %dma_start3A_220 = arith.constant 0 : i32
        %dma_start3A_221 = tpu.memref_slice %arg2[%add3A_219, %dma_start3A_220] : memref<16384x128xf32, #tpu.memory_space<hbm>> -> memref<64x128xf32, #tpu.memory_space<hbm>>
        %dma_start3A_222 = arith.constant 0 : i32
        %dma_start3A_223 = tpu.memref_slice %arg2[%add3A_219, %dma_start3A_222] : memref<16384x128xf32, #tpu.memory_space<hbm>> -> memref<64x128xf32, #tpu.memory_space<hbm>>
        tpu.enqueue_dma source(%dma_start3A_223 : memref<64x128xf32, #tpu.memory_space<hbm>>) target(%arg6 : memref<64x128xf32, #tpu.memory_space<vmem>>) target_semaphore(%arg10 : memref<!tpu.dma_semaphore, #tpu.memory_space<semaphore_mem>>)
      } else {
      }
      %mul3A_179 = arith.constant 2 : i32
      %mul3A_180 = arith.muli %mul3A_179, %scan3A_146 : i32
      %add3A_181 = arith.constant 1 : i32
      %add3A_182 = arith.addi %mul3A_180, %add3A_181 : i32
      %mul3A_183 = arith.constant 64 : i32
      %mul3A_184 = arith.muli %add3A_182, %mul3A_183 : i32
      %add3A_185 = arith.addi %mul3A_2, %mul3A_184 : i32
      %dma_wait3A_186 = arith.constant 0 : i32
      %dma_wait3A_187 = tpu.memref_slice %arg2[%add3A_185, %dma_wait3A_186] : memref<16384x128xf32, #tpu.memory_space<hbm>> -> memref<64x128xf32, #tpu.memory_space<hbm>>
      %dma_wait3A_188 = arith.constant 0 : i32
      %dma_wait3A_189 = tpu.memref_slice %arg2[%add3A_185, %dma_wait3A_188] : memref<16384x128xf32, #tpu.memory_space<hbm>> -> memref<64x128xf32, #tpu.memory_space<hbm>>
      tpu.wait_dma2 semaphore(%arg11 : memref<!tpu.dma_semaphore, #tpu.memory_space<semaphore_mem>>) src(%dma_wait3A_189 : memref<64x128xf32, #tpu.memory_space<hbm>>) dst(%arg7 : memref<64x128xf32, #tpu.memory_space<vmem>>)
      %ge3A_190 = arith.constant 2 : i32
      %ge3A_191 = arith.cmpi sge, %add3A_182, %ge3A_190 : i32
      %convert_element_type3A_192 = arith.extui %ge3A_191 : i1 to i32
      %cond3A_193 = arith.constant 0 : i32
      %cond3A_194 = arith.cmpi ne, %convert_element_type3A_192, %cond3A_193 : i32
      scf.if %cond3A_194 {
        %sub3A = arith.constant 2 : i32
        %sub3A_215 = arith.subi %add3A_182, %sub3A : i32
        %mul3A_216 = arith.constant 64 : i32
        %mul3A_217 = arith.muli %sub3A_215, %mul3A_216 : i32
        %add3A_218 = arith.addi %mul3A_2, %mul3A_217 : i32
        %dma_wait3A_219 = arith.constant 0 : i32
        %dma_wait3A_220 = tpu.memref_slice %arg4[%add3A_218, %dma_wait3A_219] : memref<16384x512xf32, #tpu.memory_space<hbm>> -> memref<64x512xf32, #tpu.memory_space<hbm>>
        %dma_wait3A_221 = arith.constant 0 : i32
        %dma_wait3A_222 = tpu.memref_slice %arg4[%add3A_218, %dma_wait3A_221] : memref<16384x512xf32, #tpu.memory_space<hbm>> -> memref<64x512xf32, #tpu.memory_space<hbm>>
        tpu.wait_dma2 semaphore(%arg13 : memref<!tpu.dma_semaphore, #tpu.memory_space<semaphore_mem>>) src(%arg9 : memref<64x512xf32, #tpu.memory_space<vmem>>) dst(%dma_wait3A_222 : memref<64x512xf32, #tpu.memory_space<hbm>>)
      } else {
      }
      %scan3A_195 = arith.constant 0 : i32
      %scan3A_196 = arith.constant 0 : i32
      %scan3A_197 = arith.constant 64 : i32
      %scan3A_198 = arith.addi %scan3A_196, %scan3A_197 : i32
      %scan3A_199 = arith.constant 1 : i32
      scf.for %scan3A_215 = %scan3A_196 to %scan3A_198 step %scan3A_199  : i32 {
        %broadcast_in_dim3A_216 = vector.broadcast %scan3A_215 : i32 to vector<16xi32>
        %get3A_217 = arith.index_cast %scan3A_215 : i32 to index
        %get3A_218 = arith.constant 0 : index
        %get3A_219 = tpu.vector_load %arg7[%get3A_217, %get3A_218] {strides = array<i32>} : memref<64x128xf32, #tpu.memory_space<vmem>>, vector<16xf32>,
        tpu.vector_store_idx %arg9[%broadcast_in_dim3A_216, %get3A_14], %get3A_219 : memref<64x512xf32, #tpu.memory_space<vmem>>[vector<16xi32>, vector<16xi32>], vector<16xf32>,
        %get3A_220 = arith.index_cast %scan3A_215 : i32 to index
        %get3A_221 = arith.constant 16 : index
        %get3A_222 = tpu.vector_load %arg7[%get3A_220, %get3A_221] {strides = array<i32>} : memref<64x128xf32, #tpu.memory_space<vmem>>, vector<16xf32>,
        tpu.vector_store_idx %arg9[%broadcast_in_dim3A_216, %get3A_16], %get3A_222 : memref<64x512xf32, #tpu.memory_space<vmem>>[vector<16xi32>, vector<16xi32>], vector<16xf32>,
        %get3A_223 = arith.index_cast %scan3A_215 : i32 to index
        %get3A_224 = arith.constant 32 : index
        %get3A_225 = tpu.vector_load %arg7[%get3A_223, %get3A_224] {strides = array<i32>} : memref<64x128xf32, #tpu.memory_space<vmem>>, vector<16xf32>,
        tpu.vector_store_idx %arg9[%broadcast_in_dim3A_216, %get3A_18], %get3A_225 : memref<64x512xf32, #tpu.memory_space<vmem>>[vector<16xi32>, vector<16xi32>], vector<16xf32>,
        %get3A_226 = arith.index_cast %scan3A_215 : i32 to index
        %get3A_227 = arith.constant 48 : index
        %get3A_228 = tpu.vector_load %arg7[%get3A_226, %get3A_227] {strides = array<i32>} : memref<64x128xf32, #tpu.memory_space<vmem>>, vector<16xf32>,
        tpu.vector_store_idx %arg9[%broadcast_in_dim3A_216, %get3A_20], %get3A_228 : memref<64x512xf32, #tpu.memory_space<vmem>>[vector<16xi32>, vector<16xi32>], vector<16xf32>,
        %get3A_229 = arith.index_cast %scan3A_215 : i32 to index
        %get3A_230 = arith.constant 64 : index
        %get3A_231 = tpu.vector_load %arg7[%get3A_229, %get3A_230] {strides = array<i32>} : memref<64x128xf32, #tpu.memory_space<vmem>>, vector<16xf32>,
        tpu.vector_store_idx %arg9[%broadcast_in_dim3A_216, %get3A_22], %get3A_231 : memref<64x512xf32, #tpu.memory_space<vmem>>[vector<16xi32>, vector<16xi32>], vector<16xf32>,
        %get3A_232 = arith.index_cast %scan3A_215 : i32 to index
        %get3A_233 = arith.constant 80 : index
        %get3A_234 = tpu.vector_load %arg7[%get3A_232, %get3A_233] {strides = array<i32>} : memref<64x128xf32, #tpu.memory_space<vmem>>, vector<16xf32>,
        tpu.vector_store_idx %arg9[%broadcast_in_dim3A_216, %get3A_24], %get3A_234 : memref<64x512xf32, #tpu.memory_space<vmem>>[vector<16xi32>, vector<16xi32>], vector<16xf32>,
        %get3A_235 = arith.index_cast %scan3A_215 : i32 to index
        %get3A_236 = arith.constant 96 : index
        %get3A_237 = tpu.vector_load %arg7[%get3A_235, %get3A_236] {strides = array<i32>} : memref<64x128xf32, #tpu.memory_space<vmem>>, vector<16xf32>,
        tpu.vector_store_idx %arg9[%broadcast_in_dim3A_216, %get3A_26], %get3A_237 : memref<64x512xf32, #tpu.memory_space<vmem>>[vector<16xi32>, vector<16xi32>], vector<16xf32>,
        %get3A_238 = arith.index_cast %scan3A_215 : i32 to index
        %get3A_239 = arith.constant 112 : index
        %get3A_240 = tpu.vector_load %arg7[%get3A_238, %get3A_239] {strides = array<i32>} : memref<64x128xf32, #tpu.memory_space<vmem>>, vector<16xf32>,
        tpu.vector_store_idx %arg9[%broadcast_in_dim3A_216, %get3A_28], %get3A_240 : memref<64x512xf32, #tpu.memory_space<vmem>>[vector<16xi32>, vector<16xi32>], vector<16xf32>,
      }
      %scan3A_200 = arith.constant 64 : i32
      %mul3A_201 = arith.constant 64 : i32
      %mul3A_202 = arith.muli %add3A_182, %mul3A_201 : i32
      %add3A_203 = arith.addi %mul3A_2, %mul3A_202 : i32
      %dma_start3A_204 = arith.constant 0 : i32
      %dma_start3A_205 = tpu.memref_slice %arg4[%add3A_203, %dma_start3A_204] : memref<16384x512xf32, #tpu.memory_space<hbm>> -> memref<64x512xf32, #tpu.memory_space<hbm>>
      %dma_start3A_206 = arith.constant 0 : i32
      %dma_start3A_207 = tpu.memref_slice %arg4[%add3A_203, %dma_start3A_206] : memref<16384x512xf32, #tpu.memory_space<hbm>> -> memref<64x512xf32, #tpu.memory_space<hbm>>
      tpu.enqueue_dma source(%arg9 : memref<64x512xf32, #tpu.memory_space<vmem>>) target(%dma_start3A_207 : memref<64x512xf32, #tpu.memory_space<hbm>>) target_semaphore(%arg13 : memref<!tpu.dma_semaphore, #tpu.memory_space<semaphore_mem>>)
      %add3A_208 = arith.constant 2 : i32
      %add3A_209 = arith.addi %add3A_182, %add3A_208 : i32
      %lt3A_210 = arith.constant 8 : i32
      %lt3A_211 = arith.cmpi slt, %add3A_209, %lt3A_210 : i32
      %convert_element_type3A_212 = arith.extui %lt3A_211 : i1 to i32
      %cond3A_213 = arith.constant 0 : i32
      %cond3A_214 = arith.cmpi ne, %convert_element_type3A_212, %cond3A_213 : i32
      scf.if %cond3A_214 {
        %add3A_215 = arith.constant 2 : i32
        %add3A_216 = arith.addi %add3A_182, %add3A_215 : i32
        %mul3A_217 = arith.constant 64 : i32
        %mul3A_218 = arith.muli %add3A_216, %mul3A_217 : i32
        %add3A_219 = arith.addi %mul3A_2, %mul3A_218 : i32
        %dma_start3A_220 = arith.constant 0 : i32
        %dma_start3A_221 = tpu.memref_slice %arg2[%add3A_219, %dma_start3A_220] : memref<16384x128xf32, #tpu.memory_space<hbm>> -> memref<64x128xf32, #tpu.memory_space<hbm>>
        %dma_start3A_222 = arith.constant 0 : i32
        %dma_start3A_223 = tpu.memref_slice %arg2[%add3A_219, %dma_start3A_222] : memref<16384x128xf32, #tpu.memory_space<hbm>> -> memref<64x128xf32, #tpu.memory_space<hbm>>
        tpu.enqueue_dma source(%dma_start3A_223 : memref<64x128xf32, #tpu.memory_space<hbm>>) target(%arg7 : memref<64x128xf32, #tpu.memory_space<vmem>>) target_semaphore(%arg11 : memref<!tpu.dma_semaphore, #tpu.memory_space<semaphore_mem>>)
      } else {
      }
    }
    %scan3A_40 = arith.constant 3 : i32
    %add3A_41 = arith.constant 384 : i32
    %add3A_42 = arith.addi %mul3A_2, %add3A_41 : i32
    %dma_wait3A = arith.constant 0 : i32
    %dma_wait3A_43 = tpu.memref_slice %arg2[%add3A_42, %dma_wait3A] : memref<16384x128xf32, #tpu.memory_space<hbm>> -> memref<64x128xf32, #tpu.memory_space<hbm>>
    %dma_wait3A_44 = arith.constant 0 : i32
    %dma_wait3A_45 = tpu.memref_slice %arg2[%add3A_42, %dma_wait3A_44] : memref<16384x128xf32, #tpu.memory_space<hbm>> -> memref<64x128xf32, #tpu.memory_space<hbm>>
    tpu.wait_dma2 semaphore(%arg10 : memref<!tpu.dma_semaphore, #tpu.memory_space<semaphore_mem>>) src(%dma_wait3A_45 : memref<64x128xf32, #tpu.memory_space<hbm>>) dst(%arg6 : memref<64x128xf32, #tpu.memory_space<vmem>>)
    %add3A_46 = arith.constant 256 : i32
    %add3A_47 = arith.addi %mul3A_2, %add3A_46 : i32
    %dma_wait3A_48 = arith.constant 0 : i32
    %dma_wait3A_49 = tpu.memref_slice %arg4[%add3A_47, %dma_wait3A_48] : memref<16384x512xf32, #tpu.memory_space<hbm>> -> memref<64x512xf32, #tpu.memory_space<hbm>>
    %dma_wait3A_50 = arith.constant 0 : i32
    %dma_wait3A_51 = tpu.memref_slice %arg4[%add3A_47, %dma_wait3A_50] : memref<16384x512xf32, #tpu.memory_space<hbm>> -> memref<64x512xf32, #tpu.memory_space<hbm>>
    tpu.wait_dma2 semaphore(%arg12 : memref<!tpu.dma_semaphore, #tpu.memory_space<semaphore_mem>>) src(%arg8 : memref<64x512xf32, #tpu.memory_space<vmem>>) dst(%dma_wait3A_51 : memref<64x512xf32, #tpu.memory_space<hbm>>)
    %scan3A_52 = arith.constant 0 : i32
    %scan3A_53 = arith.constant 0 : i32
    %scan3A_54 = arith.constant 64 : i32
    %scan3A_55 = arith.addi %scan3A_53, %scan3A_54 : i32
    %scan3A_56 = arith.constant 1 : i32
    scf.for %scan3A_146 = %scan3A_53 to %scan3A_55 step %scan3A_56  : i32 {
      %broadcast_in_dim3A_147 = vector.broadcast %scan3A_146 : i32 to vector<16xi32>
      %get3A_148 = arith.index_cast %scan3A_146 : i32 to index
      %get3A_149 = arith.constant 0 : index
      %get3A_150 = tpu.vector_load %arg6[%get3A_148, %get3A_149] {strides = array<i32>} : memref<64x128xf32, #tpu.memory_space<vmem>>, vector<16xf32>,
      tpu.vector_store_idx %arg8[%broadcast_in_dim3A_147, %get3A_14], %get3A_150 : memref<64x512xf32, #tpu.memory_space<vmem>>[vector<16xi32>, vector<16xi32>], vector<16xf32>,
      %get3A_151 = arith.index_cast %scan3A_146 : i32 to index
      %get3A_152 = arith.constant 16 : index
      %get3A_153 = tpu.vector_load %arg6[%get3A_151, %get3A_152] {strides = array<i32>} : memref<64x128xf32, #tpu.memory_space<vmem>>, vector<16xf32>,
      tpu.vector_store_idx %arg8[%broadcast_in_dim3A_147, %get3A_16], %get3A_153 : memref<64x512xf32, #tpu.memory_space<vmem>>[vector<16xi32>, vector<16xi32>], vector<16xf32>,
      %get3A_154 = arith.index_cast %scan3A_146 : i32 to index
      %get3A_155 = arith.constant 32 : index
      %get3A_156 = tpu.vector_load %arg6[%get3A_154, %get3A_155] {strides = array<i32>} : memref<64x128xf32, #tpu.memory_space<vmem>>, vector<16xf32>,
      tpu.vector_store_idx %arg8[%broadcast_in_dim3A_147, %get3A_18], %get3A_156 : memref<64x512xf32, #tpu.memory_space<vmem>>[vector<16xi32>, vector<16xi32>], vector<16xf32>,
      %get3A_157 = arith.index_cast %scan3A_146 : i32 to index
      %get3A_158 = arith.constant 48 : index
      %get3A_159 = tpu.vector_load %arg6[%get3A_157, %get3A_158] {strides = array<i32>} : memref<64x128xf32, #tpu.memory_space<vmem>>, vector<16xf32>,
      tpu.vector_store_idx %arg8[%broadcast_in_dim3A_147, %get3A_20], %get3A_159 : memref<64x512xf32, #tpu.memory_space<vmem>>[vector<16xi32>, vector<16xi32>], vector<16xf32>,
      %get3A_160 = arith.index_cast %scan3A_146 : i32 to index
      %get3A_161 = arith.constant 64 : index
      %get3A_162 = tpu.vector_load %arg6[%get3A_160, %get3A_161] {strides = array<i32>} : memref<64x128xf32, #tpu.memory_space<vmem>>, vector<16xf32>,
      tpu.vector_store_idx %arg8[%broadcast_in_dim3A_147, %get3A_22], %get3A_162 : memref<64x512xf32, #tpu.memory_space<vmem>>[vector<16xi32>, vector<16xi32>], vector<16xf32>,
      %get3A_163 = arith.index_cast %scan3A_146 : i32 to index
      %get3A_164 = arith.constant 80 : index
      %get3A_165 = tpu.vector_load %arg6[%get3A_163, %get3A_164] {strides = array<i32>} : memref<64x128xf32, #tpu.memory_space<vmem>>, vector<16xf32>,
      tpu.vector_store_idx %arg8[%broadcast_in_dim3A_147, %get3A_24], %get3A_165 : memref<64x512xf32, #tpu.memory_space<vmem>>[vector<16xi32>, vector<16xi32>], vector<16xf32>,
      %get3A_166 = arith.index_cast %scan3A_146 : i32 to index
      %get3A_167 = arith.constant 96 : index
      %get3A_168 = tpu.vector_load %arg6[%get3A_166, %get3A_167] {strides = array<i32>} : memref<64x128xf32, #tpu.memory_space<vmem>>, vector<16xf32>,
      tpu.vector_store_idx %arg8[%broadcast_in_dim3A_147, %get3A_26], %get3A_168 : memref<64x512xf32, #tpu.memory_space<vmem>>[vector<16xi32>, vector<16xi32>], vector<16xf32>,
      %get3A_169 = arith.index_cast %scan3A_146 : i32 to index
      %get3A_170 = arith.constant 112 : index
      %get3A_171 = tpu.vector_load %arg6[%get3A_169, %get3A_170] {strides = array<i32>} : memref<64x128xf32, #tpu.memory_space<vmem>>, vector<16xf32>,
      tpu.vector_store_idx %arg8[%broadcast_in_dim3A_147, %get3A_28], %get3A_171 : memref<64x512xf32, #tpu.memory_space<vmem>>[vector<16xi32>, vector<16xi32>], vector<16xf32>,
    }
    %scan3A_57 = arith.constant 64 : i32
    %add3A_58 = arith.constant 384 : i32
    %add3A_59 = arith.addi %mul3A_2, %add3A_58 : i32
    %dma_start3A_60 = arith.constant 0 : i32
    %dma_start3A_61 = tpu.memref_slice %arg4[%add3A_59, %dma_start3A_60] : memref<16384x512xf32, #tpu.memory_space<hbm>> -> memref<64x512xf32, #tpu.memory_space<hbm>>
    %dma_start3A_62 = arith.constant 0 : i32
    %dma_start3A_63 = tpu.memref_slice %arg4[%add3A_59, %dma_start3A_62] : memref<16384x512xf32, #tpu.memory_space<hbm>> -> memref<64x512xf32, #tpu.memory_space<hbm>>
    tpu.enqueue_dma source(%arg8 : memref<64x512xf32, #tpu.memory_space<vmem>>) target(%dma_start3A_63 : memref<64x512xf32, #tpu.memory_space<hbm>>) target_semaphore(%arg12 : memref<!tpu.dma_semaphore, #tpu.memory_space<semaphore_mem>>)
    %add3A_64 = arith.constant 448 : i32
    %add3A_65 = arith.addi %mul3A_2, %add3A_64 : i32
    %dma_wait3A_66 = arith.constant 0 : i32
    %dma_wait3A_67 = tpu.memref_slice %arg2[%add3A_65, %dma_wait3A_66] : memref<16384x128xf32, #tpu.memory_space<hbm>> -> memref<64x128xf32, #tpu.memory_space<hbm>>
    %dma_wait3A_68 = arith.constant 0 : i32
    %dma_wait3A_69 = tpu.memref_slice %arg2[%add3A_65, %dma_wait3A_68] : memref<16384x128xf32, #tpu.memory_space<hbm>> -> memref<64x128xf32, #tpu.memory_space<hbm>>
    tpu.wait_dma2 semaphore(%arg11 : memref<!tpu.dma_semaphore, #tpu.memory_space<semaphore_mem>>) src(%dma_wait3A_69 : memref<64x128xf32, #tpu.memory_space<hbm>>) dst(%arg7 : memref<64x128xf32, #tpu.memory_space<vmem>>)
    %add3A_70 = arith.constant 320 : i32
    %add3A_71 = arith.addi %mul3A_2, %add3A_70 : i32
    %dma_wait3A_72 = arith.constant 0 : i32
    %dma_wait3A_73 = tpu.memref_slice %arg4[%add3A_71, %dma_wait3A_72] : memref<16384x512xf32, #tpu.memory_space<hbm>> -> memref<64x512xf32, #tpu.memory_space<hbm>>
    %dma_wait3A_74 = arith.constant 0 : i32
    %dma_wait3A_75 = tpu.memref_slice %arg4[%add3A_71, %dma_wait3A_74] : memref<16384x512xf32, #tpu.memory_space<hbm>> -> memref<64x512xf32, #tpu.memory_space<hbm>>
    tpu.wait_dma2 semaphore(%arg13 : memref<!tpu.dma_semaphore, #tpu.memory_space<semaphore_mem>>) src(%arg9 : memref<64x512xf32, #tpu.memory_space<vmem>>) dst(%dma_wait3A_75 : memref<64x512xf32, #tpu.memory_space<hbm>>)
    %scan3A_76 = arith.constant 0 : i32
    %scan3A_77 = arith.constant 0 : i32
    %scan3A_78 = arith.constant 32 : i32
    %scan3A_79 = arith.addi %scan3A_77, %scan3A_78 : i32
    %scan3A_80 = arith.constant 1 : i32
    scf.for %scan3A_146 = %scan3A_77 to %scan3A_79 step %scan3A_80  : i32 {
      %broadcast_in_dim3A_147 = vector.broadcast %scan3A_146 : i32 to vector<16xi32>
      %get3A_148 = arith.index_cast %scan3A_146 : i32 to index
      %get3A_149 = arith.constant 0 : index
      %get3A_150 = tpu.vector_load %arg7[%get3A_148, %get3A_149] {strides = array<i32>} : memref<64x128xf32, #tpu.memory_space<vmem>>, vector<16xf32>,
      tpu.vector_store_idx %arg9[%broadcast_in_dim3A_147, %get3A_14], %get3A_150 : memref<64x512xf32, #tpu.memory_space<vmem>>[vector<16xi32>, vector<16xi32>], vector<16xf32>,
      %get3A_151 = arith.index_cast %scan3A_146 : i32 to index
      %get3A_152 = arith.constant 16 : index
      %get3A_153 = tpu.vector_load %arg7[%get3A_151, %get3A_152] {strides = array<i32>} : memref<64x128xf32, #tpu.memory_space<vmem>>, vector<16xf32>,
      tpu.vector_store_idx %arg9[%broadcast_in_dim3A_147, %get3A_16], %get3A_153 : memref<64x512xf32, #tpu.memory_space<vmem>>[vector<16xi32>, vector<16xi32>], vector<16xf32>,
      %get3A_154 = arith.index_cast %scan3A_146 : i32 to index
      %get3A_155 = arith.constant 32 : index
      %get3A_156 = tpu.vector_load %arg7[%get3A_154, %get3A_155] {strides = array<i32>} : memref<64x128xf32, #tpu.memory_space<vmem>>, vector<16xf32>,
      tpu.vector_store_idx %arg9[%broadcast_in_dim3A_147, %get3A_18], %get3A_156 : memref<64x512xf32, #tpu.memory_space<vmem>>[vector<16xi32>, vector<16xi32>], vector<16xf32>,
      %get3A_157 = arith.index_cast %scan3A_146 : i32 to index
      %get3A_158 = arith.constant 48 : index
      %get3A_159 = tpu.vector_load %arg7[%get3A_157, %get3A_158] {strides = array<i32>} : memref<64x128xf32, #tpu.memory_space<vmem>>, vector<16xf32>,
      tpu.vector_store_idx %arg9[%broadcast_in_dim3A_147, %get3A_20], %get3A_159 : memref<64x512xf32, #tpu.memory_space<vmem>>[vector<16xi32>, vector<16xi32>], vector<16xf32>,
      %get3A_160 = arith.index_cast %scan3A_146 : i32 to index
      %get3A_161 = arith.constant 64 : index
      %get3A_162 = tpu.vector_load %arg7[%get3A_160, %get3A_161] {strides = array<i32>} : memref<64x128xf32, #tpu.memory_space<vmem>>, vector<16xf32>,
      tpu.vector_store_idx %arg9[%broadcast_in_dim3A_147, %get3A_22], %get3A_162 : memref<64x512xf32, #tpu.memory_space<vmem>>[vector<16xi32>, vector<16xi32>], vector<16xf32>,
      %get3A_163 = arith.index_cast %scan3A_146 : i32 to index
      %get3A_164 = arith.constant 80 : index
      %get3A_165 = tpu.vector_load %arg7[%get3A_163, %get3A_164] {strides = array<i32>} : memref<64x128xf32, #tpu.memory_space<vmem>>, vector<16xf32>,
      tpu.vector_store_idx %arg9[%broadcast_in_dim3A_147, %get3A_24], %get3A_165 : memref<64x512xf32, #tpu.memory_space<vmem>>[vector<16xi32>, vector<16xi32>], vector<16xf32>,
      %get3A_166 = arith.index_cast %scan3A_146 : i32 to index
      %get3A_167 = arith.constant 96 : index
      %get3A_168 = tpu.vector_load %arg7[%get3A_166, %get3A_167] {strides = array<i32>} : memref<64x128xf32, #tpu.memory_space<vmem>>, vector<16xf32>,
      tpu.vector_store_idx %arg9[%broadcast_in_dim3A_147, %get3A_26], %get3A_168 : memref<64x512xf32, #tpu.memory_space<vmem>>[vector<16xi32>, vector<16xi32>], vector<16xf32>,
      %get3A_169 = arith.index_cast %scan3A_146 : i32 to index
      %get3A_170 = arith.constant 112 : index
      %get3A_171 = tpu.vector_load %arg7[%get3A_169, %get3A_170] {strides = array<i32>} : memref<64x128xf32, #tpu.memory_space<vmem>>, vector<16xf32>,
      tpu.vector_store_idx %arg9[%broadcast_in_dim3A_147, %get3A_28], %get3A_171 : memref<64x512xf32, #tpu.memory_space<vmem>>[vector<16xi32>, vector<16xi32>], vector<16xf32>,
    }
    %scan3A_81 = arith.constant 32 : i32
    %add3A_82 = arith.constant 448 : i32
    %add3A_83 = arith.addi %mul3A_2, %add3A_82 : i32
    %dma_start3A_84 = arith.constant 0 : i32
    %dma_start3A_85 = arith.constant 0 : i32
    %dma_start3A_86 = tpu.memref_slice %arg9[%dma_start3A_84, %dma_start3A_85] : memref<64x512xf32, #tpu.memory_space<vmem>> -> memref<32x512xf32, #tpu.memory_space<vmem>>
    %dma_start3A_87 = arith.constant 0 : i32
    %dma_start3A_88 = tpu.memref_slice %arg4[%add3A_83, %dma_start3A_87] : memref<16384x512xf32, #tpu.memory_space<hbm>> -> memref<32x512xf32, #tpu.memory_space<hbm>>
    %dma_start3A_89 = arith.constant 0 : i32
    %dma_start3A_90 = tpu.memref_slice %arg4[%add3A_83, %dma_start3A_89] : memref<16384x512xf32, #tpu.memory_space<hbm>> -> memref<32x512xf32, #tpu.memory_space<hbm>>
    %dma_start3A_91 = arith.constant 0 : i32
    %dma_start3A_92 = arith.constant 0 : i32
    %dma_start3A_93 = tpu.memref_slice %arg9[%dma_start3A_91, %dma_start3A_92] : memref<64x512xf32, #tpu.memory_space<vmem>> -> memref<32x512xf32, #tpu.memory_space<vmem>>
    tpu.enqueue_dma source(%dma_start3A_93 : memref<32x512xf32, #tpu.memory_space<vmem>>) target(%dma_start3A_90 : memref<32x512xf32, #tpu.memory_space<hbm>>) target_semaphore(%arg13 : memref<!tpu.dma_semaphore, #tpu.memory_space<semaphore_mem>>)
    %scan3A_94 = arith.constant 0 : i32
    %scan3A_95 = arith.constant 32 : i32
    %scan3A_96 = arith.constant 32 : i32
    %scan3A_97 = arith.addi %scan3A_95, %scan3A_96 : i32
    %scan3A_98 = arith.constant 1 : i32
    scf.for %scan3A_146 = %scan3A_95 to %scan3A_97 step %scan3A_98  : i32 {
      %broadcast_in_dim3A_147 = vector.broadcast %scan3A_146 : i32 to vector<16xi32>
      %get3A_148 = arith.index_cast %scan3A_146 : i32 to index
      %get3A_149 = arith.constant 0 : index
      %get3A_150 = tpu.vector_load %arg7[%get3A_148, %get3A_149] {strides = array<i32>} : memref<64x128xf32, #tpu.memory_space<vmem>>, vector<16xf32>,
      tpu.vector_store_idx %arg9[%broadcast_in_dim3A_147, %get3A_14], %get3A_150 : memref<64x512xf32, #tpu.memory_space<vmem>>[vector<16xi32>, vector<16xi32>], vector<16xf32>,
      %get3A_151 = arith.index_cast %scan3A_146 : i32 to index
      %get3A_152 = arith.constant 16 : index
      %get3A_153 = tpu.vector_load %arg7[%get3A_151, %get3A_152] {strides = array<i32>} : memref<64x128xf32, #tpu.memory_space<vmem>>, vector<16xf32>,
      tpu.vector_store_idx %arg9[%broadcast_in_dim3A_147, %get3A_16], %get3A_153 : memref<64x512xf32, #tpu.memory_space<vmem>>[vector<16xi32>, vector<16xi32>], vector<16xf32>,
      %get3A_154 = arith.index_cast %scan3A_146 : i32 to index
      %get3A_155 = arith.constant 32 : index
      %get3A_156 = tpu.vector_load %arg7[%get3A_154, %get3A_155] {strides = array<i32>} : memref<64x128xf32, #tpu.memory_space<vmem>>, vector<16xf32>,
      tpu.vector_store_idx %arg9[%broadcast_in_dim3A_147, %get3A_18], %get3A_156 : memref<64x512xf32, #tpu.memory_space<vmem>>[vector<16xi32>, vector<16xi32>], vector<16xf32>,
      %get3A_157 = arith.index_cast %scan3A_146 : i32 to index
      %get3A_158 = arith.constant 48 : index
      %get3A_159 = tpu.vector_load %arg7[%get3A_157, %get3A_158] {strides = array<i32>} : memref<64x128xf32, #tpu.memory_space<vmem>>, vector<16xf32>,
      tpu.vector_store_idx %arg9[%broadcast_in_dim3A_147, %get3A_20], %get3A_159 : memref<64x512xf32, #tpu.memory_space<vmem>>[vector<16xi32>, vector<16xi32>], vector<16xf32>,
      %get3A_160 = arith.index_cast %scan3A_146 : i32 to index
      %get3A_161 = arith.constant 64 : index
      %get3A_162 = tpu.vector_load %arg7[%get3A_160, %get3A_161] {strides = array<i32>} : memref<64x128xf32, #tpu.memory_space<vmem>>, vector<16xf32>,
      tpu.vector_store_idx %arg9[%broadcast_in_dim3A_147, %get3A_22], %get3A_162 : memref<64x512xf32, #tpu.memory_space<vmem>>[vector<16xi32>, vector<16xi32>], vector<16xf32>,
      %get3A_163 = arith.index_cast %scan3A_146 : i32 to index
      %get3A_164 = arith.constant 80 : index
      %get3A_165 = tpu.vector_load %arg7[%get3A_163, %get3A_164] {strides = array<i32>} : memref<64x128xf32, #tpu.memory_space<vmem>>, vector<16xf32>,
      tpu.vector_store_idx %arg9[%broadcast_in_dim3A_147, %get3A_24], %get3A_165 : memref<64x512xf32, #tpu.memory_space<vmem>>[vector<16xi32>, vector<16xi32>], vector<16xf32>,
      %get3A_166 = arith.index_cast %scan3A_146 : i32 to index
      %get3A_167 = arith.constant 96 : index
      %get3A_168 = tpu.vector_load %arg7[%get3A_166, %get3A_167] {strides = array<i32>} : memref<64x128xf32, #tpu.memory_space<vmem>>, vector<16xf32>,
      tpu.vector_store_idx %arg9[%broadcast_in_dim3A_147, %get3A_26], %get3A_168 : memref<64x512xf32, #tpu.memory_space<vmem>>[vector<16xi32>, vector<16xi32>], vector<16xf32>,
      %get3A_169 = arith.index_cast %scan3A_146 : i32 to index
      %get3A_170 = arith.constant 112 : index
      %get3A_171 = tpu.vector_load %arg7[%get3A_169, %get3A_170] {strides = array<i32>} : memref<64x128xf32, #tpu.memory_space<vmem>>, vector<16xf32>,
      tpu.vector_store_idx %arg9[%broadcast_in_dim3A_147, %get3A_28], %get3A_171 : memref<64x512xf32, #tpu.memory_space<vmem>>[vector<16xi32>, vector<16xi32>], vector<16xf32>,
    }
    %scan3A_99 = arith.constant 32 : i32
    %add3A_100 = arith.constant 448 : i32
    %add3A_101 = arith.addi %mul3A_2, %add3A_100 : i32
    %add3A_102 = arith.constant 32 : i32
    %add3A_103 = arith.addi %add3A_101, %add3A_102 : i32
    %dma_start3A_104 = arith.constant 32 : i32
    %dma_start3A_105 = arith.constant 0 : i32
    %dma_start3A_106 = tpu.memref_slice %arg9[%dma_start3A_104, %dma_start3A_105] : memref<64x512xf32, #tpu.memory_space<vmem>> -> memref<32x512xf32, #tpu.memory_space<vmem>>
    %dma_start3A_107 = arith.constant 0 : i32
    %dma_start3A_108 = tpu.memref_slice %arg4[%add3A_103, %dma_start3A_107] : memref<16384x512xf32, #tpu.memory_space<hbm>> -> memref<32x512xf32, #tpu.memory_space<hbm>>
    %dma_start3A_109 = arith.constant 0 : i32
    %dma_start3A_110 = tpu.memref_slice %arg4[%add3A_103, %dma_start3A_109] : memref<16384x512xf32, #tpu.memory_space<hbm>> -> memref<32x512xf32, #tpu.memory_space<hbm>>
    %dma_start3A_111 = arith.constant 32 : i32
    %dma_start3A_112 = arith.constant 0 : i32
    %dma_start3A_113 = tpu.memref_slice %arg9[%dma_start3A_111, %dma_start3A_112] : memref<64x512xf32, #tpu.memory_space<vmem>> -> memref<32x512xf32, #tpu.memory_space<vmem>>
    tpu.enqueue_dma source(%dma_start3A_113 : memref<32x512xf32, #tpu.memory_space<vmem>>) target(%dma_start3A_110 : memref<32x512xf32, #tpu.memory_space<hbm>>) target_semaphore(%arg13 : memref<!tpu.dma_semaphore, #tpu.memory_space<semaphore_mem>>)
    %add3A_114 = arith.constant 384 : i32
    %add3A_115 = arith.addi %mul3A_2, %add3A_114 : i32
    %dma_wait3A_116 = arith.constant 0 : i32
    %dma_wait3A_117 = tpu.memref_slice %arg4[%add3A_115, %dma_wait3A_116] : memref<16384x512xf32, #tpu.memory_space<hbm>> -> memref<64x512xf32, #tpu.memory_space<hbm>>
    %dma_wait3A_118 = arith.constant 0 : i32
    %dma_wait3A_119 = tpu.memref_slice %arg4[%add3A_115, %dma_wait3A_118] : memref<16384x512xf32, #tpu.memory_space<hbm>> -> memref<64x512xf32, #tpu.memory_space<hbm>>
    tpu.wait_dma2 semaphore(%arg12 : memref<!tpu.dma_semaphore, #tpu.memory_space<semaphore_mem>>) src(%arg8 : memref<64x512xf32, #tpu.memory_space<vmem>>) dst(%dma_wait3A_119 : memref<64x512xf32, #tpu.memory_space<hbm>>)
    %add3A_120 = arith.constant 448 : i32
    %add3A_121 = arith.addi %mul3A_2, %add3A_120 : i32
    %dma_wait3A_122 = arith.constant 0 : i32
    %dma_wait3A_123 = arith.constant 0 : i32
    %dma_wait3A_124 = tpu.memref_slice %arg9[%dma_wait3A_122, %dma_wait3A_123] : memref<64x512xf32, #tpu.memory_space<vmem>> -> memref<32x512xf32, #tpu.memory_space<vmem>>
    %dma_wait3A_125 = arith.constant 0 : i32
    %dma_wait3A_126 = tpu.memref_slice %arg4[%add3A_121, %dma_wait3A_125] : memref<16384x512xf32, #tpu.memory_space<hbm>> -> memref<32x512xf32, #tpu.memory_space<hbm>>
    %dma_wait3A_127 = arith.constant 0 : i32
    %dma_wait3A_128 = tpu.memref_slice %arg4[%add3A_121, %dma_wait3A_127] : memref<16384x512xf32, #tpu.memory_space<hbm>> -> memref<32x512xf32, #tpu.memory_space<hbm>>
    %dma_wait3A_129 = arith.constant 0 : i32
    %dma_wait3A_130 = arith.constant 0 : i32
    %dma_wait3A_131 = tpu.memref_slice %arg9[%dma_wait3A_129, %dma_wait3A_130] : memref<64x512xf32, #tpu.memory_space<vmem>> -> memref<32x512xf32, #tpu.memory_space<vmem>>
    tpu.wait_dma2 semaphore(%arg13 : memref<!tpu.dma_semaphore, #tpu.memory_space<semaphore_mem>>) src(%dma_wait3A_131 : memref<32x512xf32, #tpu.memory_space<vmem>>) dst(%dma_wait3A_128 : memref<32x512xf32, #tpu.memory_space<hbm>>)
    %add3A_132 = arith.constant 448 : i32
    %add3A_133 = arith.addi %mul3A_2, %add3A_132 : i32
    %add3A_134 = arith.constant 32 : i32
    %add3A_135 = arith.addi %add3A_133, %add3A_134 : i32
    %dma_wait3A_136 = arith.constant 32 : i32
    %dma_wait3A_137 = arith.constant 0 : i32
    %dma_wait3A_138 = tpu.memref_slice %arg9[%dma_wait3A_136, %dma_wait3A_137] : memref<64x512xf32, #tpu.memory_space<vmem>> -> memref<32x512xf32, #tpu.memory_space<vmem>>
    %dma_wait3A_139 = arith.constant 0 : i32
    %dma_wait3A_140 = tpu.memref_slice %arg4[%add3A_135, %dma_wait3A_139] : memref<16384x512xf32, #tpu.memory_space<hbm>> -> memref<32x512xf32, #tpu.memory_space<hbm>>
    %dma_wait3A_141 = arith.constant 0 : i32
    %dma_wait3A_142 = tpu.memref_slice %arg4[%add3A_135, %dma_wait3A_141] : memref<16384x512xf32, #tpu.memory_space<hbm>> -> memref<32x512xf32, #tpu.memory_space<hbm>>
    %dma_wait3A_143 = arith.constant 32 : i32
    %dma_wait3A_144 = arith.constant 0 : i32
    %dma_wait3A_145 = tpu.memref_slice %arg9[%dma_wait3A_143, %dma_wait3A_144] : memref<64x512xf32, #tpu.memory_space<vmem>> -> memref<32x512xf32, #tpu.memory_space<vmem>>
    tpu.wait_dma2 semaphore(%arg13 : memref<!tpu.dma_semaphore, #tpu.memory_space<semaphore_mem>>) src(%dma_wait3A_145 : memref<32x512xf32, #tpu.memory_space<vmem>>) dst(%dma_wait3A_142 : memref<32x512xf32, #tpu.memory_space<hbm>>)
    return
  }
}

</mosaic_0001>

<sc_bundles>
// kernel: kernel.3.cloned.1.call-start
scs
__scs_entry_jumppad:
0x0: {  	(pc) =	sbr.rel $0x88, $3  }
0x1: {  	(tag) =	ssettag $0x0;
	lr =	simm.s32 $0x1  }
0x2: {  	[smem:$0x3F9F] =	sst lr;
	_ =	strace $0xD0000000  }
0x3: {  	_ = 	snop  }
0x4: {  	_ = 	snop  }
0x5: {  	_ = 	snop  }
0x6: {  	_ = 	snop  }
0x7: {  	_ = 	snop  }
__scs_overlays_trampoline_lowered:
0x8: {  	[smem:$0x3FAE] =	sst s0  }
0x9: {  	[smem:$0x3FAF] =	sst s1  }
0xa: {  	[smem:$0x3FB0] =	sst s2  }
0xb: {  	[smem:$0x3FB1] =	sst s3  }
0xc: {  	[smem:$0x3FB2] =	sst s4  }
0xd: {  	[smem:$0x3FB3] =	sst s5  }
0xe: {  	[smem:$0x3FB4] =	sst s6  }
0xf: {  	[smem:$0x3FB5] =	sst s7  }
0x10: {  	[smem:$0x3FB6] =	sst s8  }
0x11: {  	[smem:$0x3FB7] =	sst s9;
	s0 =	simm.s32 @!p0 $0x0  }
0x12: {  	s1 =	sld [smem:$0x3F9D];
	s0 =	simm.s32 @p0 $0x1  }
0x13: {  	[smem:$0x3FB8] =	sst s0;
	s0 =	simm.s32 @!p1 $0x0  }
0x14: {  	s2 =	sld [smem:$0x3F9C];
	s0 =	simm.s32 @p1 $0x1  }
0x15: {  	[smem:$0x3FB9] =	sst s0;
	s0 =	simm.s32 @!p2 $0x0  }
0x16: {  	s3 =	sld [smem:$0x3FDB];
	s0 =	simm.s32 @p2 $0x1  }
0x17: {  	s4 =	simm.s32 $0x1BF5;
	[smem:$0x3FBB] =	sst s0  }
0x18: {  	s0 =	sld [smem:$0x3F9E];
	_ =	swait.ge [sflag:s4], $0x0  }
0x19: {  	s7 =	sld [smem:$0x3F9F]  }
0x1a: {  	s8 =	sadd.s32 $0xFFFFE003, lr  }
0x1b: {  	s9 =	sadd.s32 $0xFFFFFEF7, lr;
	s5 =	simm.s32 $0xFFFFFFFF;
	p2 =	slt.u32 s8, $0xFFFFF086  }
0x1c: {  	p1 =	slt.u32 s9, $0xF7A;
	s5 =	simm.s32 @!p2 $0x0  }
0x1d: {  	s5 =	simm.s32 @p1 $0x1;
	p0 =	seq.s32 s7, s2  }
0x1e: {  	s7 =	smul.u32 @!p0 $0xF7A, s2;
	p2 =	seq.s32 @!p0 s5, $0x0  }
0x1f: {  	s9 =	smul.u32 $0xF7A, s1;
	s8 =	simm.s32 @!p0 $0x1BF5;
	p2 =	por !p2, p0  }
0x20: {  	[sflag:s8] =	ssyncset.s32 @!p0 $0xFFFFF086;
	s6 =	sadd.s32 @!p0 s3, s7;
	s7 =	simm.s32 @!p0 $0x108  }
0x21: {  	s3 =	sadd.s32 s3, s9;
	s6 =	sadd.s32 @!p0 $0x88, s6;
	s7 =	simm.s32 @p2 $0x1082  }
0x22: {  	[simem:s7], [sflag:s8] =	dma.local @!p0 [hbm:s6], $0xF7A  }
0x23: {  	s9 =	sor.u32 $0xD0000000, s2;
	s6 =	simm.s32 $0x108;
	_ =	swait.ge @!p0 [sflag:s8], $0x0  }
0x24: {  	s3 =	sadd.s32 $0x88, s3;
	s6 =	simm.s32 @!p1 $0x1082;
	[sflag:s4] =	ssyncset.s32 $0xFFFFF086  }
0x25: {  	[simem:s6], [sflag:s4] =	dma.local [hbm:s3], $0xF7A  }
0x26: {  	[smem:$0x3F9F] =	sst s1;
	(tag) =	ssettag s2;
	_ =	strace s9  }
0x27: {  	s1 =	sld [smem:$0x3FAF]  }
0x28: {  	s2 =	sld [smem:$0x3FB0]  }
0x29: {  	s4 =	sld [smem:$0x3FB2]  }
0x2a: {  	p0 =	seq.s32 s5, $0x0;
	s5 =	sld [smem:$0x3FB3]  }
0x2b: {  	s6 =	sld [smem:$0x3FB4]  }
0x2c: {  	s7 =	sld [smem:$0x3FB5]  }
0x2d: {  	s3 =	simm.s32 $0x108;
	s8 =	sld [smem:$0x3FB6]  }
0x2e: {  	s3 =	simm.s32 @!p0 $0x1082;
	s9 =	sld [smem:$0x3FB7]  }
0x2f: {  	lr =	sadd.s32 s0, s3;
	s0 =	sld [smem:$0x3FAE]  }
0x30: {  	s3 =	sld [smem:$0x3FB1]  }
0x31: {  	[smem:$0x3FBA] =	sst s10  }
0x32: {  	s10 =	sld [smem:$0x3FB8];
	_ =	sdelay $0x3  }
0x33: {  	p0 =	seq.s32 s10, $0x1;
	s10 =	sld [smem:$0x3FBA];
	_ =	sdelay $0x3  }
0x34: {  	[smem:$0x3FBA] =	sst s10  }
0x35: {  	s10 =	sld [smem:$0x3FB9];
	_ =	sdelay $0x3  }
0x36: {  	p1 =	seq.s32 s10, $0x1;
	s10 =	sld [smem:$0x3FBA];
	_ =	sdelay $0x3  }
0x37: {  	[smem:$0x3FBA] =	sst s10  }
0x38: {  	s10 =	sld [smem:$0x3FBB]  }
0x39: {  	_ = 	snop;
	(pc) =	sbr.ind lr, $3  }
0x3a: {  	_ = 	snop  }
0x3b: {  	_ = 	snop  }
0x3c: {  	p2 =	seq.s32 s10, $0x1;
	s10 =	sld [smem:$0x3FBA]  }
0x3d: {  	_ =	shalt  }
0x3e: {  	_ =	shalt  }
0x3f: {  	_ =	shalt  }
0x40: {  	_ =	shalt  }
0x41: {  	_ =	shalt  }
0x42: {  	_ =	shalt  }
0x43: {  	_ =	shalt  }
0x44: {  	_ =	shalt  }
0x45: {  	_ =	shalt  }
0x46: {  	_ =	shalt  }
0x47: {  	_ =	shalt  }
0x48: {  	_ =	shalt  }
0x49: {  	_ =	shalt  }
0x4a: {  	_ =	shalt  }
0x4b: {  	_ =	shalt  }
0x4c: {  	_ =	shalt  }
0x4d: {  	_ =	shalt  }
0x4e: {  	_ =	shalt  }
0x4f: {  	_ =	shalt  }
0x50: {  	_ =	shalt  }
0x51: {  	_ =	shalt  }
0x52: {  	_ =	shalt  }
0x53: {  	_ =	shalt  }
0x54: {  	_ =	shalt  }
0x55: {  	_ =	shalt  }
0x56: {  	_ =	shalt  }
0x57: {  	_ =	shalt  }
0x58: {  	_ =	shalt  }
0x59: {  	_ =	shalt  }
0x5a: {  	_ =	shalt  }
0x5b: {  	_ =	shalt  }
0x5c: {  	_ =	shalt  }
0x5d: {  	_ =	shalt  }
0x5e: {  	_ =	shalt  }
0x5f: {  	_ =	shalt  }
0x60: {  	_ =	shalt  }
0x61: {  	_ =	shalt  }
0x62: {  	_ =	shalt  }
0x63: {  	_ =	shalt  }
0x64: {  	_ =	shalt  }
0x65: {  	_ =	shalt  }
0x66: {  	_ =	shalt  }
0x67: {  	_ =	shalt  }
0x68: {  	_ =	shalt  }
0x69: {  	_ =	shalt  }
0x6a: {  	_ =	shalt  }
0x6b: {  	_ =	shalt  }
0x6c: {  	_ =	shalt  }
0x6d: {  	_ =	shalt  }
0x6e: {  	_ =	shalt  }
0x6f: {  	_ =	shalt  }
0x70: {  	_ =	shalt  }
0x71: {  	_ =	shalt  }
0x72: {  	_ =	shalt  }
0x73: {  	_ =	shalt  }
0x74: {  	_ =	shalt  }
0x75: {  	_ =	shalt  }
0x76: {  	_ =	shalt  }
0x77: {  	_ =	shalt  }
0x78: {  	_ =	shalt  }
0x79: {  	_ =	shalt  }
0x7a: {  	_ =	shalt  }
0x7b: {  	_ =	shalt  }
0x7c: {  	_ =	shalt  }
0x7d: {  	_ =	shalt  }
0x7e: {  	_ =	shalt  }
0x7f: {  	_ =	shalt  }
0x80: {  	_ =	shalt  }
0x81: {  	_ =	shalt  }
0x82: {  	_ =	shalt  }
0x83: {  	_ =	shalt  }
0x84: {  	_ =	shalt  }
0x85: {  	_ =	shalt  }
0x86: {  	_ =	shalt  }
0x87: {  	_ =	shalt  }
.Lfunc_end0:
.L_simem_size_0:
called_computation_lowered:
.L_overlay_start_0:
0x88: {  	s2 =	sld [smem:$0x3FD9]  }
0x89: {  	s3 =	sld [smem:$0x3FFE];
	_ =	sdelay $0x1  }
0x8a: {  	s1 =	srdreg.scid  }
0x8b: {  	s0 =	sand.u32 $0x1, s1  }
0x8c: {  	s18 =	sshll.u32 s0, $0xA;
	s2 =	sadd.s32 s3, s2  }
0x8d: {  	s2 =	sadd.s32 s2, s18  }
0x8e: {  	[smem:$0x3FC6] =	sst s2  }
0x8f: {  	_ = 	snop  }
0x90: {  	s2 =	sld [smem:$0x3FC9]  }
0x91: {  	s19 =	sld [smem:$0x3FC8]  }
0x92: {  	s4 =	sld [smem:$0x3FD0];
	(tm) =	ssettm $0x1  }
0x93: {  	s5 =	sld [smem:$0x3FFB];
	_ =	sdelay $0x3  }
0x94: {  	_ =	strace s5  }
0x95: {  	s5 =	sld [smem:$0x3FFC];
	_ =	sdelay $0x3  }
0x96: {  	_ =	strace s5  }
0x97: {  	s5 =	sld [smem:$0x3FFD];
	_ =	sdelay $0x3  }
0x98: {  	_ =	strace s5  }
0x99: {  	_ =	strace $0x8FFFFFFF  }
0x9a: {  	s20 =	sld [smem:$0x3FDB];
	_ =	sdelay $0x1  }
0x9b: {  	s6 =	simm.s32 $_scs_section_size  }
0x9c: {  	s7 =	simm.s32 $_size__tile_overlayer_lowered;
	s8 =	simm.s32 $_tile_overlayer_lowered  }
0x9d: {  	s23 =	simm.s32 $0x1BFF;
	s22 =	sshll.u32 s8, $0x1;
	s5 =	sadd.s32 s6, s20  }
0x9e: {  	s9 =	simm.s32 $0x0;
	s21 =	sshll.u32 s7, $0x1;
	s7 =	sadd.s32 s22, s5  }
0x9f: {  	[timem:s9], [sflag:s23] =	dma.local [hbm:s7], s21  }
0xa0: {  	_ =	swait.ge [sflag:s23], s21  }
0xa1: {  	s6 =	ssub.s32 $0x0, s21;
	[sflag:s23] =	ssyncset.done $0x0  }
0xa2: {  	[sflag:s23] =	ssyncadd.s32 s6;
	_ =	sdelay $0x1  }
0xa3: {  	s24 =	simm.s32 $0x1B8B  }
0xa4: {  	_ =	swait.ge [sflag:s24], $0x1  }
0xa5: {  	[sflag:s24] =	ssyncset.done $0x0  }
0xa6: {  	s25 =	simm.s32 $0x1B8E;
	[sflag:s24] =	ssyncadd.s32 $0xFFFFFFFF  }
0xa7: {  	s26 =	simm.s32 $execute0_lowered;
	[smem:$0x3FD2] =	sst s25  }
0xa8: {  	s6 =	sshll.u32 s26, $0x1;
	_ =	strace $0x80000046;
	[dreg:$0x1] =	wrdreg $0xFFFFFFFF  }
0xa9: {  	s28 =	simm.s32 $_size_execute0_lowered;
	s5 =	sadd.s32 s5, s6;
	[dreg:$0x0] =	wrdreg $0x0  }
0xaa: {  	s6 =	sshll.u32 s28, $0x1;
	[dreg:$0x2] =	wrdreg s5  }
0xab: {  	[dreg:$0x3] =	wrdreg s6  }
0xac: {  	[dreg:$0x4] =	wrdreg $0xC0  }
0xad: {  	_ =	task [dreg:s9], $0x5FFFF  }
0xae: {  	[dreg:$0x1] =	wrdreg $0xFFFFFFFF  }
0xaf: {  	[dreg:$0x0] =	wrdreg $0x60  }
0xb0: {  	[dreg:$0x2] =	wrdreg s2  }
0xb1: {  	[dreg:$0x3] =	wrdreg s19  }
0xb2: {  	[dreg:$0x4] =	wrdreg s4  }
0xb3: {  	[dreg:$0x5] =	wrdreg $0x9  }
0xb4: {  	_ =	task.clear_ibuf [dreg:s9], $0x6FFFF;
	_ =	strace $0x90000046  }
0xb5: {  	s29 =	simm.s32 $0x9;
	_ =	strace $0x80000048  }
0xb6: {  	_ =	swait.ge [sflag:s29], $0x1  }
0xb7: {  	[sflag:s29] =	ssyncadd.s32 $0xFFFFFFFF  }
0xb8: {  	_ =	strace $0x90000048  }
0xb9: {  	_ =	sfence  }
0xba: {  	s30 =	sld [smem:$0x0];
	_ =	sdelay $0x2  }
0xbb: {  	s31 =	sshll.u32 s1, $0xD;
	s1 =	sshrl.u32 s1, $0x2  }
0xbc: {  	s3 =	sand.u32 $0x4000, s31;
	s1 =	sadd.s32 s1, s30  }
0xbd: {  	s0 =	sor.u32 s3, s0;
	s1 =	sshll.u32 s1, $0x11  }
0xbe: {  	s0 =	sor.u32 s1, s0  }
0xbf: {  	s0 =	sadd.s32 $0x8F2B, s0  }
0xc0: {  	[sflag:s0] =	ssyncadd.remote.s32 $0x1  }
0xc1: {  	_ =	sfence.sel $0xFFFF  }
0xc2: {  	[dreg:$0x0] =	wrdreg $0xFFFFFFFF;
	(pc) =	sbr.abs _section_cstart, $3  }
0xc3: {  	[dreg:$0x1] =	wrdreg $0xFFFFFFFF  }
0xc4: {  	_ =	task.clear_ibuf [dreg:s9], $0x2FFFF;
	_ =	strace $0x9FFFFFFF  }
0xc5: {  	(tm) =	ssettm $0x7FFFFFFF  }
tec
execute0_lowered:
.L_overlay_start_1:
0x0: {  	(tag) =	ssettag $0x1  }
0x1: {  	s4 =	rddreg [dreg:$0x0]  }
0x2: {  	s2 =	rddreg [dreg:$0x1]  }
0x3: {  	s6 =	rddreg [dreg:$0x2];
	s3 =	srdreg.scid  }
0x4: {  	s0 =	rddreg [dreg:$0x3];
	s1 =	stileid.u32  }
0x5: {  	s14 =	simm.s32 $0x80;
	s15 =	simm.s32 $0x2080;
	s16 =	simm.s32 $0x5  }
0x6: {  	s17 =	simm.s32 $0x1;
	s18 =	simm.s32 $0x4080;
	s19 =	simm.s32 $0x2  }
0x7: {  	s20 =	simm.s32 $0xC080;
	s21 =	simm.s32 $0x3;
	s22 =	simm.s32 $0x4  }
0x8: {  	s23 =	simm.s32 $0x10080;
	s24 =	simm.s32 $0x0;
	s5 =	sand.u32 $0x1, s3  }
0x9: {  	s3 =	simm.s32 $0x0;
	s7 =	sshll.u32 s1, $0xA;
	s8 =	sshll.u32 s5, $0x9  }
0xa: {  	[smem:$0x7FF] =	sst s3;
	s5 =	ssub.s32 $0x2, s5;
	s7 =	sor.u32 s8, s7  }
0xb: {  	_ =	strace $0x80000047;
	s9 =	sshrl.u32 s5, $0x1;
	s8 =	sshll.u32 s7, $0x4  }
0xc: {  	s7 =	sshll.u32 s7, $0x6;
	s12 =	ssub.s32 s5, s9;
	s4 =	sadd.s32 s4, s8  }
0xd: {  	s6 =	sadd.s32 s6, s7;
	s12 =	smax.u32 s12, $0x1;
	s5 =	sadd.s32 $0x400, s4  }
0xe: {  	s7 =	sadd.s32 $0x800, s4;
	s8 =	sadd.s32 $0xC00, s4;
	s9 =	sadd.s32 $0x6000, s6  }
0xf: {  	v0 =	vimm.f32 $0.0e+00;
	s10 =	sadd.s32 $0x7000, s6;
	s11 =	sadd.s32 $0x7800, s6;
	s13 =	sadd.s32 $0x1000, s6  }
.LBB2_1:
0x10: {  	[tilespmem:s14], [sflag:$0x1] =	stream.linear.gather [hbm4b:s4+s3], $0x2000, $0x38;
	[tilespmem:$0x14080] =	vst v63  }
0x11: {  	_ = 	snop  }
0x12: {  	[tilespmem:s15], [sflag:$0x2] =	stream.linear.gather [hbm4b:s5+s3], $0x2000, $0x38;
	[tilespmem:$0x14080] =	vst v63  }
0x13: {  	_ = 	snop  }
0x14: {  	[tilespmem:s3], [sflag:$0x5] =	stream.linear.gather [hbm4b:s2+s3], $0x80, $0x38;
	[tilespmem:$0x14080] =	vst v63  }
0x15: {  	_ =	swait.ge [sflag:s16], $0x80  }
0x16: {  	[sflag:s16] =	ssyncset.done $0x0  }
0x17: {  	[sflag:s16] =	ssyncadd.s32 $0xFFFFFF80  }
0x18: {  	v7 =	vld [tilespmem:$0x0]  }
0x19: {  	v1 =	vld [tilespmem:$0x10]  }
0x1a: {  	v5 =	vld [tilespmem:$0x20]  }
0x1b: {  	v2 =	vld [tilespmem:$0x30]  }
0x1c: {  	v4 =	vld [tilespmem:$0x40]  }
0x1d: {  	s25 =	sand.u32 $0x7000, s3;
	s26 =	sand.u32 $0x380, s3;
	v8 =	vld [tilespmem:$0x50]  }
0x1e: {  	s25 =	sor.u32 s26, s25;
	v6 =	vld [tilespmem:$0x60]  }
0x1f: {  	v3 =	vld [tilespmem:$0x70];
	[tilespmem:s25+$0xCCF0] =	vst v0  }
0x20: {  	[tilespmem:s25+$0x4080] =	vst v0  }
0x21: {  	[tilespmem:s25+$0xC080] =	vst v0  }
0x22: {  	[tilespmem:s25+$0x4090] =	vst v0  }
0x23: {  	[tilespmem:s25+$0xC090] =	vst v0  }
0x24: {  	[tilespmem:s25+$0x40A0] =	vst v0  }
0x25: {  	[tilespmem:s25+$0xC0A0] =	vst v0  }
0x26: {  	[tilespmem:s25+$0x40B0] =	vst v0  }
0x27: {  	[tilespmem:s25+$0xC0B0] =	vst v0  }
0x28: {  	[tilespmem:s25+$0x40C0] =	vst v0  }
0x29: {  	[tilespmem:s25+$0xC0C0] =	vst v0  }
0x2a: {  	[tilespmem:s25+$0x40D0] =	vst v0  }
0x2b: {  	[tilespmem:s25+$0xC0D0] =	vst v0  }
0x2c: {  	[tilespmem:s25+$0x40E0] =	vst v0  }
0x2d: {  	[tilespmem:s25+$0xC0E0] =	vst v0  }
0x2e: {  	[tilespmem:s25+$0x40F0] =	vst v0  }
0x2f: {  	[tilespmem:s25+$0xC0F0] =	vst v0  }
0x30: {  	[tilespmem:s25+$0x4480] =	vst v0  }
0x31: {  	[tilespmem:s25+$0xC480] =	vst v0  }
0x32: {  	[tilespmem:s25+$0x4490] =	vst v0  }
0x33: {  	[tilespmem:s25+$0xC490] =	vst v0  }
0x34: {  	[tilespmem:s25+$0x44A0] =	vst v0  }
0x35: {  	[tilespmem:s25+$0xC4A0] =	vst v0  }
0x36: {  	[tilespmem:s25+$0x44B0] =	vst v0  }
0x37: {  	[tilespmem:s25+$0xC4B0] =	vst v0  }
0x38: {  	[tilespmem:s25+$0x44C0] =	vst v0  }
0x39: {  	[tilespmem:s25+$0xC4C0] =	vst v0  }
0x3a: {  	[tilespmem:s25+$0x44D0] =	vst v0  }
0x3b: {  	[tilespmem:s25+$0xC4D0] =	vst v0  }
0x3c: {  	[tilespmem:s25+$0x44E0] =	vst v0  }
0x3d: {  	[tilespmem:s25+$0xC4E0] =	vst v0  }
0x3e: {  	[tilespmem:s25+$0x44F0] =	vst v0  }
0x3f: {  	[tilespmem:s25+$0xC4F0] =	vst v0  }
0x40: {  	[tilespmem:s25+$0x4880] =	vst v0  }
0x41: {  	[tilespmem:s25+$0xC880] =	vst v0  }
0x42: {  	[tilespmem:s25+$0x4890] =	vst v0  }
0x43: {  	[tilespmem:s25+$0xC890] =	vst v0  }
0x44: {  	[tilespmem:s25+$0x48A0] =	vst v0  }
0x45: {  	[tilespmem:s25+$0xC8A0] =	vst v0  }
0x46: {  	[tilespmem:s25+$0x48B0] =	vst v0  }
0x47: {  	[tilespmem:s25+$0xC8B0] =	vst v0  }
0x48: {  	[tilespmem:s25+$0x48C0] =	vst v0  }
0x49: {  	[tilespmem:s25+$0xC8C0] =	vst v0  }
0x4a: {  	[tilespmem:s25+$0x48D0] =	vst v0  }
0x4b: {  	[tilespmem:s25+$0xC8D0] =	vst v0  }
0x4c: {  	[tilespmem:s25+$0x48E0] =	vst v0  }
0x4d: {  	[tilespmem:s25+$0xC8E0] =	vst v0  }
0x4e: {  	[tilespmem:s25+$0x48F0] =	vst v0  }
0x4f: {  	[tilespmem:s25+$0xC8F0] =	vst v0  }
0x50: {  	[tilespmem:s25+$0x4C80] =	vst v0  }
0x51: {  	[tilespmem:s25+$0xCC80] =	vst v0  }
0x52: {  	[tilespmem:s25+$0x4C90] =	vst v0  }
0x53: {  	[tilespmem:s25+$0xCC90] =	vst v0  }
0x54: {  	[tilespmem:s25+$0x4CA0] =	vst v0  }
0x55: {  	[tilespmem:s25+$0xCCA0] =	vst v0  }
0x56: {  	[tilespmem:s25+$0x4CB0] =	vst v0  }
0x57: {  	[tilespmem:s25+$0xCCB0] =	vst v0  }
0x58: {  	[tilespmem:s25+$0x4CC0] =	vst v0  }
0x59: {  	[tilespmem:s25+$0xCCC0] =	vst v0  }
0x5a: {  	[tilespmem:s25+$0x4CD0] =	vst v0  }
0x5b: {  	[tilespmem:s25+$0xCCD0] =	vst v0  }
0x5c: {  	s28 =	simm.s32 $0x200;
	s26 =	simm.s32 $0x80;
	[tilespmem:s25+$0x4CE0] =	vst v0  }
0x5d: {  	s29 =	sand.u32 $0x7000, s28;
	s28 =	simm.s32 $0x400;
	s30 =	sand.u32 $0x380, s26;
	[tilespmem:s25+$0xCCE0] =	vst v0  }
.LBB2_2:
0x5e: {  	p0 =	seq.s32 s28, $0x7E00;
	[tilespmem:s25+$0x4CF0] =	vst v0;
	s25 =	sor.u32 s30, s29  }
0x5f: {  	[tilespmem:s25+$0xCCF0] =	vst v0  }
0x60: {  	[tilespmem:s25+$0x4080] =	vst v0  }
0x61: {  	[tilespmem:s25+$0xC080] =	vst v0  }
0x62: {  	[tilespmem:s25+$0x4090] =	vst v0  }
0x63: {  	[tilespmem:s25+$0xC090] =	vst v0  }
0x64: {  	[tilespmem:s25+$0x40A0] =	vst v0  }
0x65: {  	[tilespmem:s25+$0xC0A0] =	vst v0  }
0x66: {  	[tilespmem:s25+$0x40B0] =	vst v0  }
0x67: {  	[tilespmem:s25+$0xC0B0] =	vst v0  }
0x68: {  	[tilespmem:s25+$0x40C0] =	vst v0  }
0x69: {  	[tilespmem:s25+$0xC0C0] =	vst v0  }
0x6a: {  	[tilespmem:s25+$0x40D0] =	vst v0  }
0x6b: {  	[tilespmem:s25+$0xC0D0] =	vst v0  }
0x6c: {  	[tilespmem:s25+$0x40E0] =	vst v0  }
0x6d: {  	[tilespmem:s25+$0xC0E0] =	vst v0  }
0x6e: {  	[tilespmem:s25+$0x40F0] =	vst v0  }
0x6f: {  	[tilespmem:s25+$0xC0F0] =	vst v0  }
0x70: {  	[tilespmem:s25+$0x4480] =	vst v0  }
0x71: {  	[tilespmem:s25+$0xC480] =	vst v0  }
0x72: {  	[tilespmem:s25+$0x4490] =	vst v0  }
0x73: {  	[tilespmem:s25+$0xC490] =	vst v0  }
0x74: {  	[tilespmem:s25+$0x44A0] =	vst v0  }
0x75: {  	[tilespmem:s25+$0xC4A0] =	vst v0  }
0x76: {  	[tilespmem:s25+$0x44B0] =	vst v0  }
0x77: {  	[tilespmem:s25+$0xC4B0] =	vst v0  }
0x78: {  	[tilespmem:s25+$0x44C0] =	vst v0  }
0x79: {  	[tilespmem:s25+$0xC4C0] =	vst v0  }
0x7a: {  	[tilespmem:s25+$0x44D0] =	vst v0  }
0x7b: {  	[tilespmem:s25+$0xC4D0] =	vst v0  }
0x7c: {  	[tilespmem:s25+$0x44E0] =	vst v0  }
0x7d: {  	[tilespmem:s25+$0xC4E0] =	vst v0  }
0x7e: {  	[tilespmem:s25+$0x44F0] =	vst v0  }
0x7f: {  	[tilespmem:s25+$0xC4F0] =	vst v0  }
0x80: {  	[tilespmem:s25+$0x4880] =	vst v0  }
0x81: {  	[tilespmem:s25+$0xC880] =	vst v0  }
0x82: {  	[tilespmem:s25+$0x4890] =	vst v0  }
0x83: {  	[tilespmem:s25+$0xC890] =	vst v0  }
0x84: {  	[tilespmem:s25+$0x48A0] =	vst v0  }
0x85: {  	[tilespmem:s25+$0xC8A0] =	vst v0  }
0x86: {  	[tilespmem:s25+$0x48B0] =	vst v0  }
0x87: {  	[tilespmem:s25+$0xC8B0] =	vst v0  }
0x88: {  	[tilespmem:s25+$0x48C0] =	vst v0  }
0x89: {  	[tilespmem:s25+$0xC8C0] =	vst v0  }
0x8a: {  	[tilespmem:s25+$0x48D0] =	vst v0  }
0x8b: {  	[tilespmem:s25+$0xC8D0] =	vst v0  }
0x8c: {  	[tilespmem:s25+$0x48E0] =	vst v0  }
0x8d: {  	[tilespmem:s25+$0xC8E0] =	vst v0  }
0x8e: {  	[tilespmem:s25+$0x48F0] =	vst v0  }
0x8f: {  	[tilespmem:s25+$0xC8F0] =	vst v0  }
0x90: {  	[tilespmem:s25+$0x4C80] =	vst v0  }
0x91: {  	[tilespmem:s25+$0xCC80] =	vst v0  }
0x92: {  	[tilespmem:s25+$0x4C90] =	vst v0  }
0x93: {  	[tilespmem:s25+$0xCC90] =	vst v0  }
0x94: {  	[tilespmem:s25+$0x4CA0] =	vst v0  }
0x95: {  	[tilespmem:s25+$0xCCA0] =	vst v0  }
0x96: {  	[tilespmem:s25+$0x4CB0] =	vst v0  }
0x97: {  	[tilespmem:s25+$0xCCB0] =	vst v0  }
0x98: {  	[tilespmem:s25+$0x4CC0] =	vst v0  }
.Ltmp0:
0x99: {  	[tilespmem:s25+$0xCCC0] =	vst v0;
	(pc) =	sbr.rel @!p0 .LBB2_2-.Ltmp0, $4  }
0x9a: {  	[tilespmem:s25+$0x4CD0] =	vst v0  }
0x9b: {  	[tilespmem:s25+$0xCCD0] =	vst v0  }
0x9c: {  	s26 =	sadd.s32 $0x80, s26;
	[tilespmem:s25+$0x4CE0] =	vst v0  }
0x9d: {  	s29 =	sand.u32 $0x7000, s28;
	s28 =	sadd.s32 $0x200, s28;
	s30 =	sand.u32 $0x380, s26;
	[tilespmem:s25+$0xCCE0] =	vst v0  }
0x9e: {  	s26 =	sor.u32 s30, s29;
	[tilespmem:s25+$0x4CF0] =	vst v0  }
0x9f: {  	[tilespmem:s26+$0xCCF0] =	vst v0  }
0xa0: {  	[tilespmem:s26+$0x4080] =	vst v0  }
0xa1: {  	[tilespmem:s26+$0xC080] =	vst v0  }
0xa2: {  	[tilespmem:s26+$0x4090] =	vst v0  }
0xa3: {  	[tilespmem:s26+$0xC090] =	vst v0  }
0xa4: {  	[tilespmem:s26+$0x40A0] =	vst v0  }
0xa5: {  	[tilespmem:s26+$0xC0A0] =	vst v0  }
0xa6: {  	[tilespmem:s26+$0x40B0] =	vst v0  }
0xa7: {  	[tilespmem:s26+$0xC0B0] =	vst v0  }
0xa8: {  	[tilespmem:s26+$0x40C0] =	vst v0  }
0xa9: {  	[tilespmem:s26+$0xC0C0] =	vst v0  }
0xaa: {  	[tilespmem:s26+$0x40D0] =	vst v0  }
0xab: {  	[tilespmem:s26+$0xC0D0] =	vst v0  }
0xac: {  	[tilespmem:s26+$0x40E0] =	vst v0  }
0xad: {  	[tilespmem:s26+$0xC0E0] =	vst v0  }
0xae: {  	[tilespmem:s26+$0x40F0] =	vst v0  }
0xaf: {  	[tilespmem:s26+$0xC0F0] =	vst v0  }
0xb0: {  	[tilespmem:s26+$0x4480] =	vst v0  }
0xb1: {  	[tilespmem:s26+$0xC480] =	vst v0  }
0xb2: {  	[tilespmem:s26+$0x4490] =	vst v0  }
0xb3: {  	[tilespmem:s26+$0xC490] =	vst v0  }
0xb4: {  	[tilespmem:s26+$0x44A0] =	vst v0  }
0xb5: {  	[tilespmem:s26+$0xC4A0] =	vst v0  }
0xb6: {  	[tilespmem:s26+$0x44B0] =	vst v0  }
0xb7: {  	[tilespmem:s26+$0xC4B0] =	vst v0  }
0xb8: {  	[tilespmem:s26+$0x44C0] =	vst v0  }
0xb9: {  	[tilespmem:s26+$0xC4C0] =	vst v0  }
0xba: {  	[tilespmem:s26+$0x44D0] =	vst v0  }
0xbb: {  	[tilespmem:s26+$0xC4D0] =	vst v0  }
0xbc: {  	[tilespmem:s26+$0x44E0] =	vst v0  }
0xbd: {  	[tilespmem:s26+$0xC4E0] =	vst v0  }
0xbe: {  	[tilespmem:s26+$0x44F0] =	vst v0  }
0xbf: {  	[tilespmem:s26+$0xC4F0] =	vst v0  }
0xc0: {  	[tilespmem:s26+$0x4880] =	vst v0  }
0xc1: {  	[tilespmem:s26+$0xC880] =	vst v0  }
0xc2: {  	[tilespmem:s26+$0x4890] =	vst v0  }
0xc3: {  	[tilespmem:s26+$0xC890] =	vst v0  }
0xc4: {  	[tilespmem:s26+$0x48A0] =	vst v0  }
0xc5: {  	[tilespmem:s26+$0xC8A0] =	vst v0  }
0xc6: {  	[tilespmem:s26+$0x48B0] =	vst v0  }
0xc7: {  	[tilespmem:s26+$0xC8B0] =	vst v0  }
0xc8: {  	[tilespmem:s26+$0x48C0] =	vst v0  }
0xc9: {  	[tilespmem:s26+$0xC8C0] =	vst v0  }
0xca: {  	[tilespmem:s26+$0x48D0] =	vst v0  }
0xcb: {  	[tilespmem:s26+$0xC8D0] =	vst v0  }
0xcc: {  	[tilespmem:s26+$0x48E0] =	vst v0  }
0xcd: {  	[tilespmem:s26+$0xC8E0] =	vst v0  }
0xce: {  	[tilespmem:s26+$0x48F0] =	vst v0  }
0xcf: {  	[tilespmem:s26+$0xC8F0] =	vst v0  }
0xd0: {  	[tilespmem:s26+$0x4C80] =	vst v0  }
0xd1: {  	[tilespmem:s26+$0xCC80] =	vst v0  }
0xd2: {  	[tilespmem:s26+$0x4C90] =	vst v0  }
0xd3: {  	[tilespmem:s26+$0xCC90] =	vst v0  }
0xd4: {  	v9 =	vand.u32 $0x7F, v7;
	v7 =	vshll.u32 v7, $0x3;
	[tilespmem:s26+$0x4CA0] =	vst v0  }
0xd5: {  	v10 =	vshll.u32 v1, $0x3;
	v1 =	vand.u32 $0x7F, v1;
	v11 =	vshll.u32 v3, $0x3;
	[tilespmem:s26+$0xCCA0] =	vst v0  }
0xd6: {  	v3 =	vand.u32 $0x7F, v3;
	[tilespmem:s26+$0x4CB0] =	vst v0;
	v7 =	vand.u32 $0xFFFFFC00, v7;
	v10 =	vand.u32 $0xFFFFFC00, v10  }
0xd7: {  	[tilespmem:s26+$0xCCB0] =	vst v0;
	v7 =	vor.u32 v9, v7;
	v9 =	vand.u32 $0x7F, v5;
	v5 =	vshll.u32 v5, $0x3  }
0xd8: {  	[tilespmem:s26+$0x4CC0] =	vst v0;
	v1 =	vor.u32 v1, v10;
	v10 =	vshll.u32 v2, $0x3;
	v5 =	vand.u32 $0xFFFFFC00, v5  }
0xd9: {  	[tilespmem:s26+$0xCCC0] =	vst v0;
	v2 =	vand.u32 $0x7F, v2;
	v5 =	vor.u32 v9, v5;
	v9 =	vshll.u32 v4, $0x3  }
0xda: {  	[tilespmem:s26+$0x4CD0] =	vst v0;
	v10 =	vand.u32 $0xFFFFFC00, v10;
	v4 =	vand.u32 $0x7F, v4;
	v9 =	vand.u32 $0xFFFFFC00, v9  }
0xdb: {  	[tilespmem:s26+$0xCCD0] =	vst v0;
	v2 =	vor.u32 v2, v10;
	v10 =	vshll.u32 v8, $0x3;
	v4 =	vor.u32 v4, v9  }
0xdc: {  	[tilespmem:s26+$0x4CE0] =	vst v0;
	v9 =	vand.u32 $0xFFFFFC00, v10;
	v10 =	vand.u32 $0x7F, v6;
	v6 =	vshll.u32 v6, $0x3  }
0xdd: {  	[tilespmem:s26+$0xCCE0] =	vst v0;
	v11 =	vand.u32 $0xFFFFFC00, v11;
	v8 =	vand.u32 $0x7F, v8;
	v6 =	vand.u32 $0xFFFFFC00, v6  }
0xde: {  	s25 =	simm.s32 $0x0;
	[tilespmem:s26+$0x4CF0] =	vst v0;
	s26 =	simm.s32 $0x0;
	v3 =	vor.u32 v3, v11;
	v8 =	vor.u32 v8, v9;
	v6 =	vor.u32 v10, v6  }
.LBB2_4:
0xdf: {  	_ =	swait.ge [sflag:s17], $0x2000  }
0xe0: {  	p0 =	seq.s32 s26, $0x0;
	[sflag:s17] =	ssyncset.done $0x0  }
0xe1: {  	v9 =	vmov s25;
	s28 =	simm.s32 @!p0 $0x3;
	[sflag:s17] =	ssyncadd.s32 $0xFFFFE000  }
0xe2: {  	v10 =	vshll.u32 v9, $0x9;
	_ =	swait.ge @!p0 [sflag:s28], $0x8000  }
0xe3: {  	v9 =	vshll.u32 v9, $0x7;
	v10 =	vand.u32 $0x7000, v10;
	[sflag:s28] =	ssyncset.done @!p0 $0x0  }
0xe4: {  	s29 =	simm.s32 $0xC0;
	v11 =	vand.u32 $0x380, v9;
	v9 =	vadd.s32 v7, v10;
	[sflag:s28] =	ssyncadd.s32 @!p0 $0xFFFF8000  }
0xe5: {  	v9 =	vor.u32 v11, v9;
	v12 =	vld [tilespmem:s29+$0xFFFFFFC0];
	_ =	sdelay $0x4  }
0xe6: {  	[tilespmem:v9+s18+$0x0] =	vst.idx.msk $0xffff, v12;
	v9 =	vadd.s32 v1, v10  }
0xe7: {  	v12 =	vld [tilespmem:s29+$0xFFFFFFD0];
	v9 =	vor.u32 v11, v9;
	_ =	sdelay $0x4  }
0xe8: {  	[tilespmem:v9+s18+$0x0] =	vst.idx.msk $0xffff, v12;
	v9 =	vadd.s32 v5, v10  }
0xe9: {  	v12 =	vld [tilespmem:s29+$0xFFFFFFE0];
	v9 =	vor.u32 v11, v9;
	_ =	sdelay $0x4  }
0xea: {  	[tilespmem:v9+s18+$0x0] =	vst.idx.msk $0xffff, v12;
	v9 =	vadd.s32 v2, v10  }
0xeb: {  	v12 =	vld [tilespmem:s29+$0xFFFFFFF0];
	v9 =	vor.u32 v11, v9;
	_ =	sdelay $0x4  }
0xec: {  	[tilespmem:v9+s18+$0x0] =	vst.idx.msk $0xffff, v12;
	v9 =	vadd.s32 v4, v10  }
0xed: {  	v12 =	vld [tilespmem:s29+$0x0];
	v9 =	vor.u32 v11, v9;
	_ =	sdelay $0x4  }
0xee: {  	[tilespmem:v9+s18+$0x0] =	vst.idx.msk $0xffff, v12;
	v9 =	vadd.s32 v8, v10  }
0xef: {  	v12 =	vld [tilespmem:s29+$0x10];
	v9 =	vor.u32 v11, v9;
	_ =	sdelay $0x4  }
0xf0: {  	[tilespmem:v9+s18+$0x0] =	vst.idx.msk $0xffff, v12;
	v9 =	vadd.s32 v6, v10  }
0xf1: {  	v12 =	vld [tilespmem:s29+$0x20];
	v9 =	vor.u32 v11, v9;
	_ =	sdelay $0x4  }
0xf2: {  	v10 =	vadd.s32 v3, v10;
	[tilespmem:v9+s18+$0x0] =	vst.idx.msk $0xffff, v12  }
0xf3: {  	v10 =	vor.u32 v11, v10;
	v9 =	vld [tilespmem:s29+$0x30]  }
0xf4: {  	s30 =	simm.s32 $0x1  }
0xf5: {  	s28 =	sshll.u32 s26, $0xB;
	v11 =	vmov s30;
	s30 =	simm.s32 $0x2  }
.LBB2_5:
0xf6: {  	p1 =	sne.s32 s30, $0x3F;
	v12 =	vshll.u32 v11, $0x9  }
0xf7: {  	v11 =	vshll.u32 v11, $0x7;
	v12 =	vand.u32 $0x7000, v12  }
0xf8: {  	s29 =	sadd.s32 $0x80, s29;
	v11 =	vand.u32 $0x380, v11;
	v13 =	vadd.s32 v7, v12;
	[tilespmem:v10+s18+$0x0] =	vst.idx.msk $0xffff, v9  }
0xf9: {  	v9 =	vld [tilespmem:s29+$0xFFFFFFC0];
	v10 =	vor.u32 v11, v13;
	_ =	sdelay $0x4  }
0xfa: {  	[tilespmem:v10+s18+$0x0] =	vst.idx.msk $0xffff, v9;
	v9 =	vadd.s32 v1, v12  }
0xfb: {  	v10 =	vld [tilespmem:s29+$0xFFFFFFD0];
	v9 =	vor.u32 v11, v9;
	_ =	sdelay $0x4  }
0xfc: {  	[tilespmem:v9+s18+$0x0] =	vst.idx.msk $0xffff, v10;
	v9 =	vadd.s32 v5, v12  }
0xfd: {  	v10 =	vld [tilespmem:s29+$0xFFFFFFE0];
	v9 =	vor.u32 v11, v9;
	_ =	sdelay $0x4  }
0xfe: {  	[tilespmem:v9+s18+$0x0] =	vst.idx.msk $0xffff, v10;
	v9 =	vadd.s32 v2, v12  }
0xff: {  	v10 =	vld [tilespmem:s29+$0xFFFFFFF0];
	v9 =	vor.u32 v11, v9;
	_ =	sdelay $0x4  }
0x100: {  	[tilespmem:v9+s18+$0x0] =	vst.idx.msk $0xffff, v10;
	v9 =	vadd.s32 v4, v12  }
0x101: {  	v10 =	vld [tilespmem:s29+$0x0];
	v9 =	vor.u32 v11, v9;
	_ =	sdelay $0x4  }
0x102: {  	[tilespmem:v9+s18+$0x0] =	vst.idx.msk $0xffff, v10;
	v9 =	vadd.s32 v8, v12  }
0x103: {  	v10 =	vld [tilespmem:s29+$0x10];
	v9 =	vor.u32 v11, v9;
	_ =	sdelay $0x4  }
0x104: {  	[tilespmem:v9+s18+$0x0] =	vst.idx.msk $0xffff, v10;
	v9 =	vadd.s32 v6, v12  }
0x105: {  	v10 =	vld [tilespmem:s29+$0x20];
	v9 =	vor.u32 v11, v9;
	_ =	sdelay $0x3  }
.Ltmp1:
0x106: {  	(pc) =	sbr.rel @p1 .LBB2_5-.Ltmp1, $3  }
0x107: {  	[tilespmem:v9+s18+$0x0] =	vst.idx.msk $0xffff, v10;
	v10 =	vadd.s32 v3, v12  }
0x108: {  	v9 =	vld [tilespmem:s29+$0x30];
	v10 =	vor.u32 v11, v10;
	_ =	sdelay $0x1  }
0x109: {  	v11 =	vmov s30;
	s30 =	sadd.s32 $0x1, s30  }
0x10a: {  	_ =	sdelay $0x1  }
0x10b: {  	v12 =	vshll.u32 v11, $0x9  }
0x10c: {  	v11 =	vshll.u32 v11, $0x7;
	v12 =	vand.u32 $0x7000, v12  }
0x10d: {  	s29 =	sadd.s32 $0x80, s29;
	v11 =	vand.u32 $0x380, v11;
	v13 =	vadd.s32 v7, v12;
	[tilespmem:v10+s18+$0x0] =	vst.idx.msk $0xffff, v9  }
0x10e: {  	v9 =	vld [tilespmem:s29+$0xFFFFFFC0];
	v10 =	vor.u32 v11, v13;
	_ =	sdelay $0x4  }
0x10f: {  	[tilespmem:v10+s18+$0x0] =	vst.idx.msk $0xffff, v9;
	v9 =	vadd.s32 v1, v12  }
0x110: {  	v10 =	vld [tilespmem:s29+$0xFFFFFFD0];
	v9 =	vor.u32 v11, v9;
	_ =	sdelay $0x4  }
0x111: {  	[tilespmem:v9+s18+$0x0] =	vst.idx.msk $0xffff, v10;
	v9 =	vadd.s32 v5, v12  }
0x112: {  	v10 =	vld [tilespmem:s29+$0xFFFFFFE0];
	v9 =	vor.u32 v11, v9;
	_ =	sdelay $0x4  }
0x113: {  	[tilespmem:v9+s18+$0x0] =	vst.idx.msk $0xffff, v10;
	v9 =	vadd.s32 v2, v12  }
0x114: {  	v10 =	vld [tilespmem:s29+$0xFFFFFFF0];
	v9 =	vor.u32 v11, v9;
	_ =	sdelay $0x4  }
0x115: {  	[tilespmem:v9+s18+$0x0] =	vst.idx.msk $0xffff, v10;
	v9 =	vadd.s32 v4, v12  }
0x116: {  	v10 =	vld [tilespmem:s29+$0x0];
	v9 =	vor.u32 v11, v9;
	_ =	sdelay $0x4  }
0x117: {  	[tilespmem:v9+s18+$0x0] =	vst.idx.msk $0xffff, v10;
	v9 =	vadd.s32 v8, v12  }
0x118: {  	v10 =	vld [tilespmem:s29+$0x10];
	v9 =	vor.u32 v11, v9;
	_ =	sdelay $0x4  }
0x119: {  	[tilespmem:v9+s18+$0x0] =	vst.idx.msk $0xffff, v10;
	v9 =	vadd.s32 v6, v12  }
0x11a: {  	v10 =	vld [tilespmem:s29+$0x20];
	v9 =	vor.u32 v11, v9;
	_ =	sdelay $0x4  }
0x11b: {  	[tilespmem:v9+s18+$0x0] =	vst.idx.msk $0xffff, v10;
	v9 =	vadd.s32 v3, v12  }
0x11c: {  	v10 =	vld [tilespmem:s29+$0x30];
	v9 =	vor.u32 v11, v9;
	_ =	sdelay $0x3  }
0x11d: {  	s29 =	sshll.u32 s26, $0xD  }
0x11e: {  	s30 =	sadd.s32 s29, s6;
	[tilespmem:v9+s18+$0x0] =	vst.idx.msk $0xffff, v10  }
0x11f: {  	[hbm4b:s30+s3] =	stream.linear.scatter [tilespmem:s18], [sflag:$0x3], $0x8000, $0x38;
	[tilespmem:$0x14080] =	vst v63  }
0x120: {  	s30 =	sadd.s32 s28, s7  }
0x121: {  	[tilespmem:s14], [sflag:$0x1] =	stream.linear.gather [hbm4b:s30+s3], $0x2000, $0x38;
	[tilespmem:$0x14080] =	vst v63  }
0x122: {  	_ =	swait.ge [sflag:s19], $0x2000  }
0x123: {  	s30 =	simm.s32 $0x0;
	[sflag:s19] =	ssyncset.done $0x0  }
0x124: {  	s31 =	simm.s32 @!p0 $0x4;
	v9 =	vmov s30;
	[sflag:s19] =	ssyncadd.s32 $0xFFFFE000  }
0x125: {  	v10 =	vshll.u32 v9, $0x9;
	_ =	swait.ge @!p0 [sflag:s31], $0x8000  }
0x126: {  	v9 =	vshll.u32 v9, $0x7;
	v10 =	vand.u32 $0x7000, v10;
	[sflag:s31] =	ssyncset.done @!p0 $0x0  }
0x127: {  	s30 =	simm.s32 $0x20C0;
	v11 =	vand.u32 $0x380, v9;
	v9 =	vadd.s32 v7, v10;
	[sflag:s31] =	ssyncadd.s32 @!p0 $0xFFFF8000  }
0x128: {  	v9 =	vor.u32 v11, v9;
	v63 =	vld [tilespmem:s30+$0xFFFFFFC0];
	_ =	sdelay $0x4  }
0x129: {  	[tilespmem:v9+s20+$0x0] =	vst.idx.msk $0xffff, v63;
	v9 =	vadd.s32 v1, v10  }
0x12a: {  	v12 =	vld [tilespmem:s30+$0xFFFFFFD0];
	v9 =	vor.u32 v11, v9;
	_ =	sdelay $0x4  }
0x12b: {  	[tilespmem:v9+s20+$0x0] =	vst.idx.msk $0xffff, v12;
	v9 =	vadd.s32 v5, v10  }
0x12c: {  	v12 =	vld [tilespmem:s30+$0xFFFFFFE0];
	v9 =	vor.u32 v11, v9;
	_ =	sdelay $0x4  }
0x12d: {  	[tilespmem:v9+s20+$0x0] =	vst.idx.msk $0xffff, v12;
	v9 =	vadd.s32 v2, v10  }
0x12e: {  	v12 =	vld [tilespmem:s30+$0xFFFFFFF0];
	v9 =	vor.u32 v11, v9;
	_ =	sdelay $0x4  }
0x12f: {  	[tilespmem:v9+s20+$0x0] =	vst.idx.msk $0xffff, v12;
	v9 =	vadd.s32 v4, v10  }
0x130: {  	v12 =	vld [tilespmem:s30+$0x0];
	v9 =	vor.u32 v11, v9;
	_ =	sdelay $0x4  }
0x131: {  	[tilespmem:v9+s20+$0x0] =	vst.idx.msk $0xffff, v12;
	v9 =	vadd.s32 v8, v10  }
0x132: {  	v12 =	vld [tilespmem:s30+$0x10];
	v9 =	vor.u32 v11, v9;
	_ =	sdelay $0x4  }
0x133: {  	[tilespmem:v9+s20+$0x0] =	vst.idx.msk $0xffff, v12;
	v9 =	vadd.s32 v6, v10  }
0x134: {  	v12 =	vld [tilespmem:s30+$0x20];
	v9 =	vor.u32 v11, v9;
	_ =	sdelay $0x4  }
0x135: {  	v10 =	vadd.s32 v3, v10;
	[tilespmem:v9+s20+$0x0] =	vst.idx.msk $0xffff, v12  }
0x136: {  	v10 =	vor.u32 v11, v10;
	v9 =	vld [tilespmem:s30+$0x30]  }
0x137: {  	s31 =	simm.s32 $0x1  }
0x138: {  	v11 =	vmov s31;
	s31 =	simm.s32 $0x2  }
.LBB2_7:
0x139: {  	p0 =	sne.s32 s31, $0x3F;
	v12 =	vshll.u32 v11, $0x9  }
0x13a: {  	v11 =	vshll.u32 v11, $0x7;
	v12 =	vand.u32 $0x7000, v12  }
0x13b: {  	s30 =	sadd.s32 $0x80, s30;
	v11 =	vand.u32 $0x380, v11;
	v13 =	vadd.s32 v7, v12;
	[tilespmem:v10+s20+$0x0] =	vst.idx.msk $0xffff, v9  }
0x13c: {  	v9 =	vld [tilespmem:s30+$0xFFFFFFC0];
	v10 =	vor.u32 v11, v13;
	_ =	sdelay $0x4  }
0x13d: {  	[tilespmem:v10+s20+$0x0] =	vst.idx.msk $0xffff, v9;
	v9 =	vadd.s32 v1, v12  }
0x13e: {  	v10 =	vld [tilespmem:s30+$0xFFFFFFD0];
	v9 =	vor.u32 v11, v9;
	_ =	sdelay $0x4  }
0x13f: {  	[tilespmem:v9+s20+$0x0] =	vst.idx.msk $0xffff, v10;
	v9 =	vadd.s32 v5, v12  }
0x140: {  	v10 =	vld [tilespmem:s30+$0xFFFFFFE0];
	v9 =	vor.u32 v11, v9;
	_ =	sdelay $0x4  }
0x141: {  	[tilespmem:v9+s20+$0x0] =	vst.idx.msk $0xffff, v10;
	v9 =	vadd.s32 v2, v12  }
0x142: {  	v10 =	vld [tilespmem:s30+$0xFFFFFFF0];
	v9 =	vor.u32 v11, v9;
	_ =	sdelay $0x4  }
0x143: {  	[tilespmem:v9+s20+$0x0] =	vst.idx.msk $0xffff, v10;
	v9 =	vadd.s32 v4, v12  }
0x144: {  	v10 =	vld [tilespmem:s30+$0x0];
	v9 =	vor.u32 v11, v9;
	_ =	sdelay $0x4  }
0x145: {  	[tilespmem:v9+s20+$0x0] =	vst.idx.msk $0xffff, v10;
	v9 =	vadd.s32 v8, v12  }
0x146: {  	v10 =	vld [tilespmem:s30+$0x10];
	v9 =	vor.u32 v11, v9;
	_ =	sdelay $0x4  }
0x147: {  	[tilespmem:v9+s20+$0x0] =	vst.idx.msk $0xffff, v10;
	v9 =	vadd.s32 v6, v12  }
0x148: {  	v10 =	vld [tilespmem:s30+$0x20];
	v9 =	vor.u32 v11, v9;
	_ =	sdelay $0x3  }
.Ltmp2:
0x149: {  	(pc) =	sbr.rel @p0 .LBB2_7-.Ltmp2, $3  }
0x14a: {  	[tilespmem:v9+s20+$0x0] =	vst.idx.msk $0xffff, v10;
	v10 =	vadd.s32 v3, v12  }
0x14b: {  	v9 =	vld [tilespmem:s30+$0x30];
	v10 =	vor.u32 v11, v10;
	_ =	sdelay $0x1  }
0x14c: {  	v11 =	vmov s31;
	s31 =	sadd.s32 $0x1, s31  }
0x14d: {  	_ =	sdelay $0x1  }
0x14e: {  	v12 =	vshll.u32 v11, $0x9  }
0x14f: {  	v11 =	vshll.u32 v11, $0x7;
	v12 =	vand.u32 $0x7000, v12  }
0x150: {  	s30 =	sadd.s32 $0x80, s30;
	v11 =	vand.u32 $0x380, v11;
	v13 =	vadd.s32 v7, v12;
	[tilespmem:v10+s20+$0x0] =	vst.idx.msk $0xffff, v9  }
0x151: {  	v9 =	vld [tilespmem:s30+$0xFFFFFFC0];
	v10 =	vor.u32 v11, v13;
	_ =	sdelay $0x4  }
0x152: {  	[tilespmem:v10+s20+$0x0] =	vst.idx.msk $0xffff, v9;
	v9 =	vadd.s32 v1, v12  }
0x153: {  	v10 =	vld [tilespmem:s30+$0xFFFFFFD0];
	v9 =	vor.u32 v11, v9;
	_ =	sdelay $0x4  }
0x154: {  	[tilespmem:v9+s20+$0x0] =	vst.idx.msk $0xffff, v10;
	v9 =	vadd.s32 v5, v12  }
0x155: {  	v10 =	vld [tilespmem:s30+$0xFFFFFFE0];
	v9 =	vor.u32 v11, v9;
	_ =	sdelay $0x4  }
0x156: {  	[tilespmem:v9+s20+$0x0] =	vst.idx.msk $0xffff, v10;
	v9 =	vadd.s32 v2, v12  }
0x157: {  	v10 =	vld [tilespmem:s30+$0xFFFFFFF0];
	v9 =	vor.u32 v11, v9;
	_ =	sdelay $0x4  }
0x158: {  	[tilespmem:v9+s20+$0x0] =	vst.idx.msk $0xffff, v10;
	v9 =	vadd.s32 v4, v12  }
0x159: {  	v10 =	vld [tilespmem:s30+$0x0];
	v9 =	vor.u32 v11, v9;
	_ =	sdelay $0x4  }
0x15a: {  	[tilespmem:v9+s20+$0x0] =	vst.idx.msk $0xffff, v10;
	v9 =	vadd.s32 v8, v12  }
0x15b: {  	v10 =	vld [tilespmem:s30+$0x10];
	v9 =	vor.u32 v11, v9;
	_ =	sdelay $0x4  }
0x15c: {  	[tilespmem:v9+s20+$0x0] =	vst.idx.msk $0xffff, v10;
	v9 =	vadd.s32 v6, v12  }
0x15d: {  	v10 =	vld [tilespmem:s30+$0x20];
	v9 =	vor.u32 v11, v9;
	_ =	sdelay $0x4  }
0x15e: {  	[tilespmem:v9+s20+$0x0] =	vst.idx.msk $0xffff, v10;
	v9 =	vadd.s32 v3, v12  }
0x15f: {  	v10 =	vld [tilespmem:s30+$0x30];
	v9 =	vor.u32 v11, v9;
	_ =	sdelay $0x1  }
0x160: {  	s26 =	sadd.s32 $0x1, s26  }
0x161: {  	p0 =	sne.s32 s26, $0x3  }
.Ltmp3:
0x162: {  	_ = 	snop;
	(pc) =	sbr.rel @p0 .LBB2_4-.Ltmp3, $4  }
0x163: {  	s29 =	sadd.s32 s13, s29;
	[tilespmem:v9+s20+$0x0] =	vst.idx.msk $0xffff, v10  }
0x164: {  	[hbm4b:s29+s3] =	stream.linear.scatter [tilespmem:s20], [sflag:$0x4], $0x8000, $0x38;
	[tilespmem:$0x14080] =	vst v63  }
0x165: {  	s28 =	sadd.s32 s28, s8  }
0x166: {  	[tilespmem:s15], [sflag:$0x2] =	stream.linear.gather [hbm4b:s28+s3], $0x2000, $0x38;
	[tilespmem:$0x14080] =	vst v63  }
0x167: {  	_ =	swait.ge [sflag:s17], $0x2000  }
0x168: {  	s25 =	simm.s32 $0x0;
	[sflag:s17] =	ssyncset.done $0x0  }
0x169: {  	v9 =	vmov s25;
	[sflag:s17] =	ssyncadd.s32 $0xFFFFE000  }
0x16a: {  	v10 =	vshll.u32 v9, $0x9;
	_ =	swait.ge [sflag:s21], $0x8000  }
0x16b: {  	v9 =	vshll.u32 v9, $0x7;
	v10 =	vand.u32 $0x7000, v10;
	[sflag:s21] =	ssyncset.done $0x0  }
0x16c: {  	s25 =	simm.s32 $0xC0;
	v11 =	vand.u32 $0x380, v9;
	v9 =	vadd.s32 v7, v10;
	[sflag:s21] =	ssyncadd.s32 $0xFFFF8000  }
0x16d: {  	v9 =	vor.u32 v11, v9;
	v12 =	vld [tilespmem:s25+$0xFFFFFFC0];
	_ =	sdelay $0x4  }
0x16e: {  	[tilespmem:v9+s18+$0x0] =	vst.idx.msk $0xffff, v12;
	v9 =	vadd.s32 v1, v10  }
0x16f: {  	v12 =	vld [tilespmem:s25+$0xFFFFFFD0];
	v9 =	vor.u32 v11, v9;
	_ =	sdelay $0x4  }
0x170: {  	[tilespmem:v9+s18+$0x0] =	vst.idx.msk $0xffff, v12;
	v9 =	vadd.s32 v5, v10  }
0x171: {  	v12 =	vld [tilespmem:s25+$0xFFFFFFE0];
	v9 =	vor.u32 v11, v9;
	_ =	sdelay $0x4  }
0x172: {  	[tilespmem:v9+s18+$0x0] =	vst.idx.msk $0xffff, v12;
	v9 =	vadd.s32 v2, v10  }
0x173: {  	v12 =	vld [tilespmem:s25+$0xFFFFFFF0];
	v9 =	vor.u32 v11, v9;
	_ =	sdelay $0x4  }
0x174: {  	[tilespmem:v9+s18+$0x0] =	vst.idx.msk $0xffff, v12;
	v9 =	vadd.s32 v4, v10  }
0x175: {  	v12 =	vld [tilespmem:s25+$0x0];
	v9 =	vor.u32 v11, v9;
	_ =	sdelay $0x4  }
0x176: {  	[tilespmem:v9+s18+$0x0] =	vst.idx.msk $0xffff, v12;
	v9 =	vadd.s32 v8, v10  }
0x177: {  	v12 =	vld [tilespmem:s25+$0x10];
	v9 =	vor.u32 v11, v9;
	_ =	sdelay $0x4  }
0x178: {  	[tilespmem:v9+s18+$0x0] =	vst.idx.msk $0xffff, v12;
	v9 =	vadd.s32 v6, v10  }
0x179: {  	v12 =	vld [tilespmem:s25+$0x20];
	v9 =	vor.u32 v11, v9;
	_ =	sdelay $0x4  }
0x17a: {  	v10 =	vadd.s32 v3, v10;
	[tilespmem:v9+s18+$0x0] =	vst.idx.msk $0xffff, v12  }
0x17b: {  	v10 =	vor.u32 v11, v10;
	v9 =	vld [tilespmem:s25+$0x30]  }
0x17c: {  	s26 =	simm.s32 $0x1  }
0x17d: {  	v11 =	vmov s26;
	s26 =	simm.s32 $0x2  }
.LBB2_10:
0x17e: {  	p0 =	sne.s32 s26, $0x3F;
	v12 =	vshll.u32 v11, $0x9  }
0x17f: {  	v11 =	vshll.u32 v11, $0x7;
	v12 =	vand.u32 $0x7000, v12  }
0x180: {  	s25 =	sadd.s32 $0x80, s25;
	v11 =	vand.u32 $0x380, v11;
	v13 =	vadd.s32 v7, v12;
	[tilespmem:v10+s18+$0x0] =	vst.idx.msk $0xffff, v9  }
0x181: {  	v9 =	vld [tilespmem:s25+$0xFFFFFFC0];
	v10 =	vor.u32 v11, v13;
	_ =	sdelay $0x4  }
0x182: {  	[tilespmem:v10+s18+$0x0] =	vst.idx.msk $0xffff, v9;
	v9 =	vadd.s32 v1, v12  }
0x183: {  	v10 =	vld [tilespmem:s25+$0xFFFFFFD0];
	v9 =	vor.u32 v11, v9;
	_ =	sdelay $0x4  }
0x184: {  	[tilespmem:v9+s18+$0x0] =	vst.idx.msk $0xffff, v10;
	v9 =	vadd.s32 v5, v12  }
0x185: {  	v10 =	vld [tilespmem:s25+$0xFFFFFFE0];
	v9 =	vor.u32 v11, v9;
	_ =	sdelay $0x4  }
0x186: {  	[tilespmem:v9+s18+$0x0] =	vst.idx.msk $0xffff, v10;
	v9 =	vadd.s32 v2, v12  }
0x187: {  	v10 =	vld [tilespmem:s25+$0xFFFFFFF0];
	v9 =	vor.u32 v11, v9;
	_ =	sdelay $0x4  }
0x188: {  	[tilespmem:v9+s18+$0x0] =	vst.idx.msk $0xffff, v10;
	v9 =	vadd.s32 v4, v12  }
0x189: {  	v10 =	vld [tilespmem:s25+$0x0];
	v9 =	vor.u32 v11, v9;
	_ =	sdelay $0x4  }
0x18a: {  	[tilespmem:v9+s18+$0x0] =	vst.idx.msk $0xffff, v10;
	v9 =	vadd.s32 v8, v12  }
0x18b: {  	v10 =	vld [tilespmem:s25+$0x10];
	v9 =	vor.u32 v11, v9;
	_ =	sdelay $0x4  }
0x18c: {  	[tilespmem:v9+s18+$0x0] =	vst.idx.msk $0xffff, v10;
	v9 =	vadd.s32 v6, v12  }
0x18d: {  	v10 =	vld [tilespmem:s25+$0x20];
	v9 =	vor.u32 v11, v9;
	_ =	sdelay $0x3  }
.Ltmp4:
0x18e: {  	(pc) =	sbr.rel @p0 .LBB2_10-.Ltmp4, $3  }
0x18f: {  	[tilespmem:v9+s18+$0x0] =	vst.idx.msk $0xffff, v10;
	v10 =	vadd.s32 v3, v12  }
0x190: {  	v9 =	vld [tilespmem:s25+$0x30];
	v10 =	vor.u32 v11, v10;
	_ =	sdelay $0x1  }
0x191: {  	v11 =	vmov s26;
	s26 =	sadd.s32 $0x1, s26  }
0x192: {  	_ =	sdelay $0x1  }
0x193: {  	v12 =	vshll.u32 v11, $0x9  }
0x194: {  	v11 =	vshll.u32 v11, $0x7;
	v12 =	vand.u32 $0x7000, v12  }
0x195: {  	s25 =	sadd.s32 $0x80, s25;
	v11 =	vand.u32 $0x380, v11;
	v13 =	vadd.s32 v7, v12;
	[tilespmem:v10+s18+$0x0] =	vst.idx.msk $0xffff, v9  }
0x196: {  	v9 =	vld [tilespmem:s25+$0xFFFFFFC0];
	v10 =	vor.u32 v11, v13;
	_ =	sdelay $0x4  }
0x197: {  	[tilespmem:v10+s18+$0x0] =	vst.idx.msk $0xffff, v9;
	v9 =	vadd.s32 v1, v12  }
0x198: {  	v10 =	vld [tilespmem:s25+$0xFFFFFFD0];
	v9 =	vor.u32 v11, v9;
	_ =	sdelay $0x4  }
0x199: {  	[tilespmem:v9+s18+$0x0] =	vst.idx.msk $0xffff, v10;
	v9 =	vadd.s32 v5, v12  }
0x19a: {  	v10 =	vld [tilespmem:s25+$0xFFFFFFE0];
	v9 =	vor.u32 v11, v9;
	_ =	sdelay $0x4  }
0x19b: {  	[tilespmem:v9+s18+$0x0] =	vst.idx.msk $0xffff, v10;
	v9 =	vadd.s32 v2, v12  }
0x19c: {  	v10 =	vld [tilespmem:s25+$0xFFFFFFF0];
	v9 =	vor.u32 v11, v9;
	_ =	sdelay $0x4  }
0x19d: {  	[tilespmem:v9+s18+$0x0] =	vst.idx.msk $0xffff, v10;
	v9 =	vadd.s32 v4, v12  }
0x19e: {  	v10 =	vld [tilespmem:s25+$0x0];
	v9 =	vor.u32 v11, v9;
	_ =	sdelay $0x4  }
0x19f: {  	[tilespmem:v9+s18+$0x0] =	vst.idx.msk $0xffff, v10;
	v9 =	vadd.s32 v8, v12  }
0x1a0: {  	v10 =	vld [tilespmem:s25+$0x10];
	v9 =	vor.u32 v11, v9;
	_ =	sdelay $0x4  }
0x1a1: {  	[tilespmem:v9+s18+$0x0] =	vst.idx.msk $0xffff, v10;
	v9 =	vadd.s32 v6, v12  }
0x1a2: {  	v10 =	vld [tilespmem:s25+$0x20];
	v9 =	vor.u32 v11, v9;
	_ =	sdelay $0x4  }
0x1a3: {  	[tilespmem:v9+s18+$0x0] =	vst.idx.msk $0xffff, v10;
	v9 =	vadd.s32 v3, v12  }
0x1a4: {  	v10 =	vld [tilespmem:s25+$0x30];
	v9 =	vor.u32 v11, v9;
	_ =	sdelay $0x4  }
0x1a5: {  	s31 =	simm.s32 $0x0;
	[tilespmem:v9+s18+$0x0] =	vst.idx.msk $0xffff, v10  }
0x1a6: {  	[hbm4b:s9+s31] =	stream.linear.scatter [tilespmem:s18], [sflag:$0x3], $0x8000, $0x38;
	[tilespmem:$0x14080] =	vst v63  }
0x1a7: {  	_ =	swait.ge [sflag:s19], $0x2000  }
0x1a8: {  	[sflag:s19] =	ssyncset.done $0x0  }
0x1a9: {  	v9 =	vmov s31;
	[sflag:s19] =	ssyncadd.s32 $0xFFFFE000  }
0x1aa: {  	v10 =	vshll.u32 v9, $0x9;
	_ =	swait.ge [sflag:s22], $0x8000  }
0x1ab: {  	v9 =	vshll.u32 v9, $0x7;
	v10 =	vand.u32 $0x3000, v10;
	[sflag:s22] =	ssyncset.done $0x0  }
0x1ac: {  	s25 =	simm.s32 $0x20C0;
	v11 =	vand.u32 $0x380, v9;
	v9 =	vadd.s32 v7, v10;
	[sflag:s22] =	ssyncadd.s32 $0xFFFF8000  }
0x1ad: {  	v9 =	vor.u32 v11, v9;
	v63 =	vld [tilespmem:s25+$0xFFFFFFC0];
	_ =	sdelay $0x4  }
0x1ae: {  	[tilespmem:v9+s20+$0x0] =	vst.idx.msk $0xffff, v63;
	v9 =	vadd.s32 v1, v10  }
0x1af: {  	v12 =	vld [tilespmem:s25+$0xFFFFFFD0];
	v9 =	vor.u32 v11, v9;
	_ =	sdelay $0x4  }
0x1b0: {  	[tilespmem:v9+s20+$0x0] =	vst.idx.msk $0xffff, v12;
	v9 =	vadd.s32 v5, v10  }
0x1b1: {  	v12 =	vld [tilespmem:s25+$0xFFFFFFE0];
	v9 =	vor.u32 v11, v9;
	_ =	sdelay $0x4  }
0x1b2: {  	[tilespmem:v9+s20+$0x0] =	vst.idx.msk $0xffff, v12;
	v9 =	vadd.s32 v2, v10  }
0x1b3: {  	v12 =	vld [tilespmem:s25+$0xFFFFFFF0];
	v9 =	vor.u32 v11, v9;
	_ =	sdelay $0x4  }
0x1b4: {  	[tilespmem:v9+s20+$0x0] =	vst.idx.msk $0xffff, v12;
	v9 =	vadd.s32 v4, v10  }
0x1b5: {  	v12 =	vld [tilespmem:s25+$0x0];
	v9 =	vor.u32 v11, v9;
	_ =	sdelay $0x4  }
0x1b6: {  	[tilespmem:v9+s20+$0x0] =	vst.idx.msk $0xffff, v12;
	v9 =	vadd.s32 v8, v10  }
0x1b7: {  	v12 =	vld [tilespmem:s25+$0x10];
	v9 =	vor.u32 v11, v9;
	_ =	sdelay $0x4  }
0x1b8: {  	[tilespmem:v9+s20+$0x0] =	vst.idx.msk $0xffff, v12;
	v9 =	vadd.s32 v6, v10  }
0x1b9: {  	v12 =	vld [tilespmem:s25+$0x20];
	v9 =	vor.u32 v11, v9;
	_ =	sdelay $0x4  }
0x1ba: {  	v10 =	vadd.s32 v3, v10;
	[tilespmem:v9+s20+$0x0] =	vst.idx.msk $0xffff, v12  }
0x1bb: {  	v10 =	vor.u32 v11, v10;
	v9 =	vld [tilespmem:s25+$0x30]  }
0x1bc: {  	s26 =	simm.s32 $0x1  }
0x1bd: {  	v11 =	vmov s26;
	s26 =	simm.s32 $0x2  }
.LBB2_12:
0x1be: {  	p0 =	sne.s32 s26, $0x1F;
	v12 =	vshll.u32 v11, $0x9  }
0x1bf: {  	v11 =	vshll.u32 v11, $0x7;
	v12 =	vand.u32 $0x3000, v12  }
0x1c0: {  	s25 =	sadd.s32 $0x80, s25;
	v11 =	vand.u32 $0x380, v11;
	v13 =	vadd.s32 v7, v12;
	[tilespmem:v10+s20+$0x0] =	vst.idx.msk $0xffff, v9  }
0x1c1: {  	v9 =	vld [tilespmem:s25+$0xFFFFFFC0];
	v10 =	vor.u32 v11, v13;
	_ =	sdelay $0x4  }
0x1c2: {  	[tilespmem:v10+s20+$0x0] =	vst.idx.msk $0xffff, v9;
	v9 =	vadd.s32 v1, v12  }
0x1c3: {  	v10 =	vld [tilespmem:s25+$0xFFFFFFD0];
	v9 =	vor.u32 v11, v9;
	_ =	sdelay $0x4  }
0x1c4: {  	[tilespmem:v9+s20+$0x0] =	vst.idx.msk $0xffff, v10;
	v9 =	vadd.s32 v5, v12  }
0x1c5: {  	v10 =	vld [tilespmem:s25+$0xFFFFFFE0];
	v9 =	vor.u32 v11, v9;
	_ =	sdelay $0x4  }
0x1c6: {  	[tilespmem:v9+s20+$0x0] =	vst.idx.msk $0xffff, v10;
	v9 =	vadd.s32 v2, v12  }
0x1c7: {  	v10 =	vld [tilespmem:s25+$0xFFFFFFF0];
	v9 =	vor.u32 v11, v9;
	_ =	sdelay $0x4  }
0x1c8: {  	[tilespmem:v9+s20+$0x0] =	vst.idx.msk $0xffff, v10;
	v9 =	vadd.s32 v4, v12  }
0x1c9: {  	v10 =	vld [tilespmem:s25+$0x0];
	v9 =	vor.u32 v11, v9;
	_ =	sdelay $0x4  }
0x1ca: {  	[tilespmem:v9+s20+$0x0] =	vst.idx.msk $0xffff, v10;
	v9 =	vadd.s32 v8, v12  }
0x1cb: {  	v10 =	vld [tilespmem:s25+$0x10];
	v9 =	vor.u32 v11, v9;
	_ =	sdelay $0x4  }
0x1cc: {  	[tilespmem:v9+s20+$0x0] =	vst.idx.msk $0xffff, v10;
	v9 =	vadd.s32 v6, v12  }
0x1cd: {  	v10 =	vld [tilespmem:s25+$0x20];
	v9 =	vor.u32 v11, v9;
	_ =	sdelay $0x3  }
.Ltmp5:
0x1ce: {  	(pc) =	sbr.rel @p0 .LBB2_12-.Ltmp5, $3  }
0x1cf: {  	[tilespmem:v9+s20+$0x0] =	vst.idx.msk $0xffff, v10;
	v10 =	vadd.s32 v3, v12  }
0x1d0: {  	v9 =	vld [tilespmem:s25+$0x30];
	v10 =	vor.u32 v11, v10;
	_ =	sdelay $0x1  }
0x1d1: {  	v11 =	vmov s26;
	s26 =	sadd.s32 $0x1, s26  }
0x1d2: {  	_ =	sdelay $0x1  }
0x1d3: {  	v12 =	vshll.u32 v11, $0x9  }
0x1d4: {  	v11 =	vshll.u32 v11, $0x7;
	v12 =	vand.u32 $0x3000, v12  }
0x1d5: {  	s25 =	sadd.s32 $0x80, s25;
	v11 =	vand.u32 $0x380, v11;
	v13 =	vadd.s32 v7, v12;
	[tilespmem:v10+s20+$0x0] =	vst.idx.msk $0xffff, v9  }
0x1d6: {  	v9 =	vld [tilespmem:s25+$0xFFFFFFC0];
	v10 =	vor.u32 v11, v13;
	_ =	sdelay $0x4  }
0x1d7: {  	[tilespmem:v10+s20+$0x0] =	vst.idx.msk $0xffff, v9;
	v9 =	vadd.s32 v1, v12  }
0x1d8: {  	v10 =	vld [tilespmem:s25+$0xFFFFFFD0];
	v9 =	vor.u32 v11, v9;
	_ =	sdelay $0x4  }
0x1d9: {  	[tilespmem:v9+s20+$0x0] =	vst.idx.msk $0xffff, v10;
	v9 =	vadd.s32 v5, v12  }
0x1da: {  	v10 =	vld [tilespmem:s25+$0xFFFFFFE0];
	v9 =	vor.u32 v11, v9;
	_ =	sdelay $0x4  }
0x1db: {  	[tilespmem:v9+s20+$0x0] =	vst.idx.msk $0xffff, v10;
	v9 =	vadd.s32 v2, v12  }
0x1dc: {  	v10 =	vld [tilespmem:s25+$0xFFFFFFF0];
	v9 =	vor.u32 v11, v9;
	_ =	sdelay $0x4  }
0x1dd: {  	[tilespmem:v9+s20+$0x0] =	vst.idx.msk $0xffff, v10;
	v9 =	vadd.s32 v4, v12  }
0x1de: {  	v10 =	vld [tilespmem:s25+$0x0];
	v9 =	vor.u32 v11, v9;
	_ =	sdelay $0x4  }
0x1df: {  	[tilespmem:v9+s20+$0x0] =	vst.idx.msk $0xffff, v10;
	v9 =	vadd.s32 v8, v12  }
0x1e0: {  	v10 =	vld [tilespmem:s25+$0x10];
	v9 =	vor.u32 v11, v9;
	_ =	sdelay $0x4  }
0x1e1: {  	[tilespmem:v9+s20+$0x0] =	vst.idx.msk $0xffff, v10;
	v9 =	vadd.s32 v6, v12  }
0x1e2: {  	v10 =	vld [tilespmem:s25+$0x20];
	v9 =	vor.u32 v11, v9;
	_ =	sdelay $0x4  }
0x1e3: {  	[tilespmem:v9+s20+$0x0] =	vst.idx.msk $0xffff, v10;
	v9 =	vadd.s32 v3, v12  }
0x1e4: {  	v10 =	vld [tilespmem:s25+$0x30];
	v9 =	vor.u32 v11, v9;
	_ =	sdelay $0x2  }
0x1e5: {  	s31 =	simm.s32 $0x20  }
0x1e6: {  	v11 =	vmov s31  }
0x1e7: {  	[tilespmem:v9+s20+$0x0] =	vst.idx.msk $0xffff, v10;
	v9 =	vshll.u32 v11, $0x9  }
0x1e8: {  	s25 =	simm.s32 $0x30F0;
	v10 =	vshll.u32 v11, $0x7;
	v9 =	vand.u32 $0x7000, v9  }
0x1e9: {  	[hbm4b:s10+s3] =	stream.linear.scatter [tilespmem:s20], [sflag:$0x4], $0x4000, $0x38;
	v10 =	vand.u32 $0x380, v10;
	v11 =	vadd.s32 v7, v9;
	[tilespmem:$0x14080] =	vst v63  }
0x1ea: {  	v63 =	vld [tilespmem:s25+$0xFFFFFF90];
	v11 =	vor.u32 v10, v11;
	_ =	sdelay $0x4  }
0x1eb: {  	[tilespmem:v11+s20+$0x0] =	vst.idx.msk $0xffff, v63;
	v11 =	vadd.s32 v1, v9  }
0x1ec: {  	v12 =	vld [tilespmem:s25+$0xFFFFFFA0];
	v11 =	vor.u32 v10, v11;
	_ =	sdelay $0x4  }
0x1ed: {  	[tilespmem:v11+s20+$0x0] =	vst.idx.msk $0xffff, v12;
	v11 =	vadd.s32 v5, v9  }
0x1ee: {  	v12 =	vld [tilespmem:s25+$0xFFFFFFB0];
	v11 =	vor.u32 v10, v11;
	_ =	sdelay $0x4  }
0x1ef: {  	[tilespmem:v11+s20+$0x0] =	vst.idx.msk $0xffff, v12;
	v11 =	vadd.s32 v2, v9  }
0x1f0: {  	v12 =	vld [tilespmem:s25+$0xFFFFFFC0];
	v11 =	vor.u32 v10, v11;
	_ =	sdelay $0x4  }
0x1f1: {  	[tilespmem:v11+s20+$0x0] =	vst.idx.msk $0xffff, v12;
	v11 =	vadd.s32 v4, v9  }
0x1f2: {  	v12 =	vld [tilespmem:s25+$0xFFFFFFD0];
	v11 =	vor.u32 v10, v11;
	_ =	sdelay $0x4  }
0x1f3: {  	[tilespmem:v11+s20+$0x0] =	vst.idx.msk $0xffff, v12;
	v11 =	vadd.s32 v8, v9  }
0x1f4: {  	v12 =	vld [tilespmem:s25+$0xFFFFFFE0];
	v11 =	vor.u32 v10, v11;
	_ =	sdelay $0x4  }
0x1f5: {  	[tilespmem:v11+s20+$0x0] =	vst.idx.msk $0xffff, v12;
	v11 =	vadd.s32 v6, v9  }
0x1f6: {  	v12 =	vld [tilespmem:s25+$0xFFFFFFF0];
	v11 =	vor.u32 v10, v11;
	_ =	sdelay $0x4  }
0x1f7: {  	[tilespmem:v11+s20+$0x0] =	vst.idx.msk $0xffff, v12;
	v11 =	vadd.s32 v3, v9  }
0x1f8: {  	v9 =	vld [tilespmem:s25+$0x0];
	v10 =	vor.u32 v10, v11  }
0x1f9: {  	s26 =	simm.s32 $0x21  }
0x1fa: {  	v11 =	vmov s26;
	s26 =	simm.s32 $0x22  }
.LBB2_14:
0x1fb: {  	p0 =	sne.s32 s26, $0x3F;
	v12 =	vshll.u32 v11, $0x9  }
0x1fc: {  	v11 =	vshll.u32 v11, $0x7;
	v12 =	vand.u32 $0x7000, v12  }
0x1fd: {  	s25 =	sadd.s32 $0x80, s25;
	v11 =	vand.u32 $0x380, v11;
	v13 =	vadd.s32 v7, v12;
	[tilespmem:v10+s20+$0x0] =	vst.idx.msk $0xffff, v9  }
0x1fe: {  	v9 =	vld [tilespmem:s25+$0xFFFFFF90];
	v10 =	vor.u32 v11, v13;
	_ =	sdelay $0x4  }
0x1ff: {  	[tilespmem:v10+s20+$0x0] =	vst.idx.msk $0xffff, v9;
	v9 =	vadd.s32 v1, v12  }
0x200: {  	v10 =	vld [tilespmem:s25+$0xFFFFFFA0];
	v9 =	vor.u32 v11, v9;
	_ =	sdelay $0x4  }
0x201: {  	[tilespmem:v9+s20+$0x0] =	vst.idx.msk $0xffff, v10;
	v9 =	vadd.s32 v5, v12  }
0x202: {  	v10 =	vld [tilespmem:s25+$0xFFFFFFB0];
	v9 =	vor.u32 v11, v9;
	_ =	sdelay $0x4  }
0x203: {  	[tilespmem:v9+s20+$0x0] =	vst.idx.msk $0xffff, v10;
	v9 =	vadd.s32 v2, v12  }
0x204: {  	v10 =	vld [tilespmem:s25+$0xFFFFFFC0];
	v9 =	vor.u32 v11, v9;
	_ =	sdelay $0x4  }
0x205: {  	[tilespmem:v9+s20+$0x0] =	vst.idx.msk $0xffff, v10;
	v9 =	vadd.s32 v4, v12  }
0x206: {  	v10 =	vld [tilespmem:s25+$0xFFFFFFD0];
	v9 =	vor.u32 v11, v9;
	_ =	sdelay $0x4  }
0x207: {  	[tilespmem:v9+s20+$0x0] =	vst.idx.msk $0xffff, v10;
	v9 =	vadd.s32 v8, v12  }
0x208: {  	v10 =	vld [tilespmem:s25+$0xFFFFFFE0];
	v9 =	vor.u32 v11, v9;
	_ =	sdelay $0x4  }
0x209: {  	[tilespmem:v9+s20+$0x0] =	vst.idx.msk $0xffff, v10;
	v9 =	vadd.s32 v6, v12  }
0x20a: {  	v10 =	vld [tilespmem:s25+$0xFFFFFFF0];
	v9 =	vor.u32 v11, v9;
	_ =	sdelay $0x3  }
.Ltmp6:
0x20b: {  	(pc) =	sbr.rel @p0 .LBB2_14-.Ltmp6, $3  }
0x20c: {  	[tilespmem:v9+s20+$0x0] =	vst.idx.msk $0xffff, v10;
	v10 =	vadd.s32 v3, v12  }
0x20d: {  	v9 =	vld [tilespmem:s25+$0x0];
	v10 =	vor.u32 v11, v10;
	_ =	sdelay $0x1  }
0x20e: {  	v11 =	vmov s26;
	s26 =	sadd.s32 $0x1, s26  }
0x20f: {  	_ =	sdelay $0x1  }
0x210: {  	v12 =	vshll.u32 v11, $0x9  }
0x211: {  	v62 =	vshll.u32 v11, $0x7;
	v12 =	vand.u32 $0x7000, v12  }
0x212: {  	s25 =	sadd.s32 $0x80, s25;
	v11 =	vand.u32 $0x380, v62;
	v7 =	vadd.s32 v7, v12;
	[tilespmem:v10+s20+$0x0] =	vst.idx.msk $0xffff, v9  }
0x213: {  	v9 =	vld [tilespmem:s25+$0xFFFFFF90];
	v7 =	vor.u32 v11, v7;
	_ =	sdelay $0x4  }
0x214: {  	v1 =	vadd.s32 v1, v12;
	[tilespmem:v7+s20+$0x0] =	vst.idx.msk $0xffff, v9  }
0x215: {  	v1 =	vor.u32 v11, v1;
	v7 =	vld [tilespmem:s25+$0xFFFFFFA0];
	_ =	sdelay $0x4  }
0x216: {  	[tilespmem:v1+s20+$0x0] =	vst.idx.msk $0xffff, v7;
	v1 =	vadd.s32 v5, v12  }
0x217: {  	v63 =	vld [tilespmem:s25+$0xFFFFFFB0];
	v1 =	vor.u32 v11, v1;
	_ =	sdelay $0x4  }
0x218: {  	[tilespmem:v1+s20+$0x0] =	vst.idx.msk $0xffff, v63;
	v1 =	vadd.s32 v2, v12  }
0x219: {  	v2 =	vld [tilespmem:s25+$0xFFFFFFC0];
	v1 =	vor.u32 v11, v1;
	_ =	sdelay $0x4  }
0x21a: {  	[tilespmem:v1+s20+$0x0] =	vst.idx.msk $0xffff, v2;
	v1 =	vadd.s32 v4, v12  }
0x21b: {  	v2 =	vld [tilespmem:s25+$0xFFFFFFD0];
	v1 =	vor.u32 v11, v1;
	_ =	sdelay $0x4  }
0x21c: {  	[tilespmem:v1+s20+$0x0] =	vst.idx.msk $0xffff, v2;
	v1 =	vadd.s32 v8, v12  }
0x21d: {  	v2 =	vld [tilespmem:s25+$0xFFFFFFE0];
	v1 =	vor.u32 v11, v1;
	_ =	sdelay $0x4  }
0x21e: {  	[tilespmem:v1+s20+$0x0] =	vst.idx.msk $0xffff, v2;
	v1 =	vadd.s32 v6, v12  }
0x21f: {  	v2 =	vld [tilespmem:s25+$0xFFFFFFF0];
	v1 =	vor.u32 v11, v1;
	_ =	sdelay $0x4  }
0x220: {  	[tilespmem:v1+s20+$0x0] =	vst.idx.msk $0xffff, v2;
	v1 =	vadd.s32 v3, v12  }
0x221: {  	v2 =	vld [tilespmem:s25+$0x0];
	v1 =	vor.u32 v11, v1;
	_ =	sdelay $0x4  }
0x222: {  	[tilespmem:v1+s20+$0x0] =	vst.idx.msk $0xffff, v2  }
0x223: {  	[hbm4b:s11+s3] =	stream.linear.scatter [tilespmem:s23], [sflag:$0x4], $0x4000, $0x38;
	[tilespmem:$0x14080] =	vst v63  }
0x224: {  	_ =	swait.ge [sflag:s21], $0x8000  }
0x225: {  	[sflag:s21] =	ssyncset.done $0x0  }
0x226: {  	s24 =	sadd.s32 $0x1, s24;
	[sflag:s21] =	ssyncadd.s32 $0xFFFF8000  }
0x227: {  	p0 =	sne.s32 s24, s12;
	_ =	swait.ge [sflag:s22], $0x4000  }
.Ltmp7:
0x228: {  	[sflag:s22] =	ssyncset.done $0x0;
	(pc) =	sbr.rel @p0 .LBB2_1-.Ltmp7, $4  }
0x229: {  	[sflag:s22] =	ssyncadd.s32 $0xFFFFC000  }
0x22a: {  	_ =	swait.ge [sflag:s22], $0x4000  }
0x22b: {  	[sflag:s22] =	ssyncset.done $0x0  }
0x22c: {  	[sflag:s22] =	ssyncadd.s32 $0xFFFFC000  }
0x22d: {  	_ =	sfence.sel $0x180000  }
0x22e: {  	[bflag:$0x0] =	sbarrier.arrive $0xFFFF  }
0x22f: {  	p0 =	sne.s32 s1, $0x0;
	_ =	strace $0x90000047  }
0x230: {  	s0 =	sadd.s32 @!p0 $0x100000, s0;
	[bflag:$0x2] =	sbarrier.arrive $0xFFFF  }
0x231: {  	[sflag:s0] =	ssyncadd.tile.s32 @!p0 $0x1;
	_ =	shalt  }
.Lfunc_end2:
_tile_overlayer_lowered:
.L_overlay_start_2:
0x232: {  	(tag) =	ssettag $0x2  }
0x233: {  	s0 =	rddreg [dreg:$0x0];
	s2 =	stileid.u32  }
0x234: {  	s1 =	rddreg [dreg:$0x1];
	p0 =	sne.s32 s2, $0x0  }
0x235: {  	s3 =	rddreg [dreg:$0x2];
	[bflag:$0x3] =	sbarrier.arrive $0xFFFF;
	s2 =	simm.s32 @!p0 $0x1C05  }
0x236: {  	[timem:s3], [sflag:s2] =	dma.local @!p0 [hbm:s0], s1  }
0x237: {  	s0 =	simm.s32 @!p0 $0x5  }
0x238: {  	_ =	swait.ge @!p0 [sflag:s0], s1  }
0x239: {  	s1 =	ssub.s32 @!p0 $0x0, s1;
	[sflag:s0] =	ssyncset.done @!p0 $0x0  }
0x23a: {  	[sflag:s0] =	ssyncadd.s32 @!p0 s1  }
0x23b: {  	[bflag:$0x3] =	sbarrier.arrive $0xFFFF  }
0x23c: {  	_ =	shalt  }

</sc_bundles>
